<compile_context>
chip_gen: v7x
topology: tpu7x:2x2x1
jax: 0.10.2.dev20260603
libtpu: 0.0.44.dev20260713+nightly
codegen_flags: <defaults>
</compile_context>

<pallas_src>
import jax
import jax.numpy as jnp
from jax import lax
from jax.experimental import pallas as pl
from jax.experimental.pallas import tpu as pltpu
from jax.experimental.pallas import tpu_sc as plsc

NN = 100000
NE = 6400000
NS = 100000
NC, NT = 2, 16
NW = NC * NT
EPW = NE // NW
B = 2000
NB = EPW // B
NV = B // 16
PAD = 100096
STRIPE = PAD // NT
CHUNK = 512
WSPAN = 14336


def _sc_segsum(x, ptrs, csr):
    mesh = plsc.VectorSubcoreMesh(core_axis_name="c", subcore_axis_name="s",
                                  num_cores=NC, num_subcores=NT)

    def body(x_hbm, ptrs_hbm, csr_hbm, out_hbm, xloc,
             pb0, pb1, cb0, cb1, lacc, iota_ids, ids_stage, val_stage,
             acc, sp0, sp1, sq0, sq1):
        cid = lax.axis_index("c")
        sid = lax.axis_index("s")
        wid = sid * NC + cid
        pbs, cbs = (pb0, pb1), (cb0, cb1)
        sps, sqs = (sp0, sp1), (sq0, sq1)

        iota = lax.iota(jnp.int32, 16)
        lane15 = iota == 15
        zerosf = jnp.zeros((16,), jnp.float32)
        dummy_ids = jnp.full((16,), PAD - 1, jnp.int32)

        def issue_in(slot, b):
            base = wid * EPW + b * B
            pltpu.async_copy(ptrs_hbm.at[pl.ds(base, B)], pbs[slot], sps[slot])
            pltpu.async_copy(csr_hbm.at[pl.ds(base, B)],
                             cbs[slot].at[pl.ds(0, B)], sqs[slot])

        def wait_in(slot):
            pltpu.make_async_copy(ptrs_hbm.at[pl.ds(0, B)], pbs[slot],
                                  sps[slot]).wait()
            pltpu.make_async_copy(csr_hbm.at[pl.ds(0, B)],
                                  cbs[slot].at[pl.ds(0, B)], sqs[slot]).wait()

        issue_in(0, 0)
        pltpu.sync_copy(x_hbm, xloc)

        def fill_iota(k, c):
            iota_ids[pl.ds(16 * k, 16)] = iota + 16 * k
            return c

        lax.fori_loop(0, CHUNK // 16, fill_iota, 0)

        def zla(k, c):
            lacc[pl.ds(16 * k, 16)] = zerosf
            return c

        lax.fori_loop(0, WSPAN // 16, zla, 0)

        def zvs(k, c):
            val_stage[pl.ds(16 * k, 16)] = zerosf
            return c

        lax.fori_loop(0, CHUNK // 16, zvs, 0)
        for k in range(STRIPE // CHUNK):
            pltpu.sync_copy(val_stage.at[pl.ds(0, CHUNK)],
                            acc.at[pl.ds(sid * STRIPE + k * CHUNK, CHUNK)])
        rem = STRIPE % CHUNK
        pltpu.sync_copy(val_stage.at[pl.ds(0, rem)],
                        acc.at[pl.ds(sid * STRIPE + STRIPE - rem, rem)])
        plsc.subcore_barrier()

        def drain_window(wbase, wmax):
            span = wmax - wbase
            nch = (span + CHUNK - 1) // CHUNK

            def chunk(ci, c):
                boff = wbase + ci * CHUNK

                def mk(k, c2):
                    ids_stage[pl.ds(16 * k, 16)] = jnp.minimum(
                        iota_ids[pl.ds(16 * k, 16)] + boff, PAD - 1)
                    return c2

                lax.fori_loop(0, CHUNK // 16, mk, 0)
                pltpu.sync_copy(lacc.at[pl.ds(ci * CHUNK, CHUNK)],
                                acc.at[ids_stage], add=True)
                return c

            lax.fori_loop(0, nch, chunk, 0)

            def rz(k, c):
                lacc[pl.ds(16 * k, 16)] = zerosf
                return c

            lax.fori_loop(0, nch * (CHUNK // 16), rz, 0)

        def accum_block(slot, wbase):
            shift_idx = jnp.minimum(iota + 1, 15)

            @plsc.parallel_loop(0, NV, unroll=8)
            def inner(j):
                ids = cbs[slot][pl.ds(j * 16, 16)]
                ids_nx = ids.at[shift_idx].get(mode="promise_in_bounds")
                ptr = pbs[slot][pl.ds(j * 16, 16)]
                v = plsc.load_gather(xloc, [ptr])
                cum = plsc.cumsum(v)
                neq = ids != ids_nx
                addm = jnp.logical_or(neq, lane15)
                subm = jnp.logical_and(neq, jnp.logical_not(lane15))
                plsc.addupdate_scatter(lacc, [ids - wbase], cum, mask=addm)
                plsc.addupdate_scatter(lacc, [ids_nx - wbase], -cum, mask=subm)

        def fallback_block(slot):
            for k in range(4):
                cnt = min(CHUNK, B - k * CHUNK)

                def mv(t, c):
                    pos = k * CHUNK + t * 16
                    ids_stage[pl.ds(t * 16, 16)] = cbs[slot][pl.ds(pos, 16)]
                    ptr = pbs[slot][pl.ds(pos, 16)]
                    val_stage[pl.ds(t * 16, 16)] = plsc.load_gather(xloc, [ptr])
                    return c

                lax.fori_loop(0, cnt // 16, mv, 0)
                for t in range(cnt // 16, CHUNK // 16):
                    ids_stage[pl.ds(t * 16, 16)] = dummy_ids
                    val_stage[pl.ds(t * 16, 16)] = zerosf
                pltpu.sync_copy(val_stage, acc.at[ids_stage], add=True)

        def do_block(slot, b, carry):
            wbase, wmax = carry
            newmin = cbs[slot][pl.ds(0, 16)][0]
            newmax = cbs[slot][pl.ds(B - 16, 16)][15] + 1
            need_rebase = jnp.logical_or(wbase < 0, newmax - wbase > WSPAN)

            @pl.when(jnp.logical_and(need_rebase, wbase >= 0))
            def _():
                drain_window(wbase, wmax)

            wbase2 = jnp.where(need_rebase, newmin, wbase)
            use_window = newmax - wbase2 <= WSPAN

            @pl.when(use_window)
            def _():
                accum_block(slot, wbase2)

            @pl.when(jnp.logical_not(use_window))
            def _():
                fallback_block(slot)

            wbase3 = jnp.where(use_window, wbase2, jnp.int32(-1))
            wmax3 = jnp.where(use_window, newmax, jnp.int32(0))
            return (wbase3, wmax3)

        def pair(i, carry):
            for phase in range(2):
                slot = phase
                b = 2 * i + phase
                wait_in(slot)

                @pl.when(b + 1 < NB)
                def _():
                    issue_in(1 - slot, b + 1)

                carry = do_block(slot, b, carry)
            return carry

        wbase, wmax = lax.fori_loop(0, NB // 2, pair,
                                    (jnp.int32(-1), jnp.int32(0)))

        @pl.when(wbase >= 0)
        def _():
            drain_window(wbase, wmax)

        plsc.subcore_barrier()

        pltpu.sync_copy(acc.at[pl.ds(sid * STRIPE, STRIPE)],
                        xloc.at[pl.ds(0, STRIPE)])
        pltpu.sync_copy(xloc.at[pl.ds(0, STRIPE)],
                        out_hbm.at[pl.ds(cid * PAD + sid * STRIPE, STRIPE)])

    return pl.kernel(
        body,
        out_type=jax.ShapeDtypeStruct((NC * PAD,), jnp.float32),
        mesh=mesh,
        compiler_params=pltpu.CompilerParams(needs_layout_passes=False),
        scratch_types=(
            [pltpu.VMEM((NN,), jnp.float32)]
            + [pltpu.VMEM((B,), jnp.int32) for _ in range(2)]
            + [pltpu.VMEM((B + 16,), jnp.int32) for _ in range(2)]
            + [pltpu.VMEM((WSPAN,), jnp.float32)]
            + [pltpu.VMEM((CHUNK,), jnp.int32)]
            + [pltpu.VMEM((CHUNK,), jnp.int32)]
            + [pltpu.VMEM((CHUNK,), jnp.float32)]
            + [pltpu.VMEM_SHARED((PAD,), jnp.float32)]
            + [pltpu.SemaphoreType.DMA for _ in range(4)]
        ),
    )(x, ptrs, csr)


def _tc_add(a_ref, b_ref, o_ref):
    o_ref[...] = a_ref[...] + b_ref[...]


def kernel(x, ptrs, csr):
    parts = _sc_segsum(x, ptrs, csr)
    a = parts[:PAD].reshape(PAD // 128, 128)
    b = parts[PAD:].reshape(PAD // 128, 128)
    out = pl.pallas_call(
        _tc_add,
        out_shape=jax.ShapeDtypeStruct((PAD // 128, 128), jnp.float32),
    )(a, b)
    return out.reshape(-1)[:NS]

# --- scband reference (transcript-rebuilt; emitter-appended) ---
"""Pipeline reference for scband-knowledge-layer-31696858644647 (READ-ONLY COPY).

The authoritative reference and input builder live on the scoring server;
editing this copy changes nothing except your own understanding.
"""

import jax, jax.numpy as jnp
import numpy as np

N_NODES = 100000
N_EDGES = 6400000
N_SEG = 100000


def setup_inputs(seed: int = 0) -> dict:
    key = jax.random.key(seed)
    k1, k2, k3 = jax.random.split(key, 3)
    # node/source values to be gathered
    x = jax.random.normal(k1, (N_NODES,), dtype=jnp.float32)
    # ptrs: gather indices into x, one per 'edge'
    ptrs = jax.random.randint(k2, (N_EDGES,), 0, N_NODES, dtype=jnp.int32)
    # csr: sorted segment ids (CSR-style column/segment assignment)
    csr = jnp.sort(jax.random.randint(k3, (N_EDGES,), 0, N_SEG, dtype=jnp.int32))
    # pin the last segment id so out_shape = csr[-1] + 1 == N_SEG deterministically
    csr = csr.at[-1].set(N_SEG - 1)
    return {"x": x, "ptrs": ptrs, "csr": csr}


def reference(x, ptrs, csr):
    # KnowledgeLayer.forward: gather values at ptrs, then segment-sum-reduce
    # into out_shape = (csr[-1] + 1,) output buckets keyed by csr.
    gathered = jnp.take(x, ptrs, axis=0)
    out = jnp.zeros((N_SEG,), dtype=x.dtype).at[csr].add(gathered)
    return out

if __name__ == "__main__":
    import jax
    _d = setup_inputs()
    print(jax.jit(kernel)(*tuple(_d.values())))

</pallas_src>

<mosaic_0001>
#map = affine_map<(d0, d1) -> (0)>
module attributes {stable_mosaic.version = 14 : i64} {
  func.func @body(%arg0: i32, %arg1: i32, %arg2: memref<100000xf32, #tpu.memory_space<hbm>>, %arg3: memref<6400000xi32, #tpu.memory_space<hbm>>, %arg4: memref<6400000xi32, #tpu.memory_space<hbm>>, %arg5: memref<200192xf32, #tpu.memory_space<hbm>>, %arg6: memref<100000xf32, #tpu.memory_space<vmem>>, %arg7: memref<2000xi32, #tpu.memory_space<vmem>>, %arg8: memref<2000xi32, #tpu.memory_space<vmem>>, %arg9: memref<2016xi32, #tpu.memory_space<vmem>>, %arg10: memref<2016xi32, #tpu.memory_space<vmem>>, %arg11: memref<14336xf32, #tpu.memory_space<vmem>>, %arg12: memref<512xi32, #tpu.memory_space<vmem>>, %arg13: memref<512xi32, #tpu.memory_space<vmem>>, %arg14: memref<512xf32, #tpu.memory_space<vmem>>, %arg15: memref<100096xf32, #tpu.memory_space<vmem_shared>>, %arg16: memref<!tpu.dma_semaphore, #tpu.memory_space<semaphore_mem>>, %arg17: memref<!tpu.dma_semaphore, #tpu.memory_space<semaphore_mem>>, %arg18: memref<!tpu.dma_semaphore, #tpu.memory_space<semaphore_mem>>, %arg19: memref<!tpu.dma_semaphore, #tpu.memory_space<semaphore_mem>>) attributes {dimension_semantics = [#tpu.dimension_semantics<core_parallel>, #tpu.dimension_semantics<subcore_parallel>], iteration_bounds = array<i64: 2, 16>, scalar_prefetch = 0 : i64, scratch_operands = 14 : i64, tpu.core_type = #tpu.core_type<sc_vector_subcore>, window_params = [{transform_indices = #map}, {transform_indices = #map}, {transform_indices = #map}, {transform_indices = #map}]} {
    %mul3A = arith.constant 2 : i32
    %mul3A_0 = arith.muli %arg1, %mul3A : i32
    %add3A = arith.addi %mul3A_0, %arg0 : i32
    %iota3A = tpu.iota {dimensions = array<i32: 0>} : vector<16xi32>
    %eq3A = arith.constant 15 : i32
    %eq3A_1 = vector.broadcast %eq3A : i32 to vector<16xi32>
    %eq3A_2 = arith.cmpi eq, %iota3A, %eq3A_1 : vector<16xi32>
    %broadcast_in_dim3A = arith.constant 0.000000e+00 : f32
    %broadcast_in_dim3A_3 = vector.broadcast %broadcast_in_dim3A : f32 to vector<16xf32>
    %broadcast_in_dim3A_4 = arith.constant 100095 : i32
    %broadcast_in_dim3A_5 = vector.broadcast %broadcast_in_dim3A_4 : i32 to vector<16xi32>
    %mul3A_6 = arith.constant 200000 : i32
    %mul3A_7 = arith.muli %add3A, %mul3A_6 : i32
    %add3A_8 = arith.constant 0 : i32
    %add3A_9 = arith.addi %mul3A_7, %add3A_8 : i32
    %dma_start3A = tpu.memref_slice %arg3[%add3A_9] : memref<6400000xi32, #tpu.memory_space<hbm>> -> memref<2000xi32, #tpu.memory_space<hbm>>
    %dma_start3A_10 = tpu.memref_slice %arg3[%add3A_9] : memref<6400000xi32, #tpu.memory_space<hbm>> -> memref<2000xi32, #tpu.memory_space<hbm>>
    tpu.enqueue_dma source(%dma_start3A_10 : memref<2000xi32, #tpu.memory_space<hbm>>) target(%arg7 : memref<2000xi32, #tpu.memory_space<vmem>>) target_semaphore(%arg16 : memref<!tpu.dma_semaphore, #tpu.memory_space<semaphore_mem>>)
    %dma_start3A_11 = arith.constant 0 : i32
    %dma_start3A_12 = tpu.memref_slice %arg9[%dma_start3A_11] : memref<2016xi32, #tpu.memory_space<vmem>> -> memref<2000xi32, #tpu.memory_space<vmem>>
    %dma_start3A_13 = tpu.memref_slice %arg4[%add3A_9] : memref<6400000xi32, #tpu.memory_space<hbm>> -> memref<2000xi32, #tpu.memory_space<hbm>>
    %dma_start3A_14 = arith.constant 0 : i32
    %dma_start3A_15 = tpu.memref_slice %arg9[%dma_start3A_14] : memref<2016xi32, #tpu.memory_space<vmem>> -> memref<2000xi32, #tpu.memory_space<vmem>>
    %dma_start3A_16 = tpu.memref_slice %arg4[%add3A_9] : memref<6400000xi32, #tpu.memory_space<hbm>> -> memref<2000xi32, #tpu.memory_space<hbm>>
    tpu.enqueue_dma source(%dma_start3A_16 : memref<2000xi32, #tpu.memory_space<hbm>>) target(%dma_start3A_15 : memref<2000xi32, #tpu.memory_space<vmem>>) target_semaphore(%arg18 : memref<!tpu.dma_semaphore, #tpu.memory_space<semaphore_mem>>)
    "tpu.region"() ({
      %run_scoped3A = tpu.sem_alloc : memref<!tpu.dma_semaphore, #tpu.memory_space<semaphore_mem>>
      tpu.enqueue_dma source(%arg2 : memref<100000xf32, #tpu.memory_space<hbm>>) target(%arg6 : memref<100000xf32, #tpu.memory_space<vmem>>) target_semaphore(%run_scoped3A : memref<!tpu.dma_semaphore, #tpu.memory_space<semaphore_mem>>)
      tpu.wait_dma2 semaphore(%run_scoped3A : memref<!tpu.dma_semaphore, #tpu.memory_space<semaphore_mem>>) src(%arg2 : memref<100000xf32, #tpu.memory_space<hbm>>) dst(%arg6 : memref<100000xf32, #tpu.memory_space<vmem>>)
      tpu.yield
    }) : () -> ()
    %scan3A = arith.constant 0 : i32
    %scan3A_17 = arith.constant 0 : i32
    %scan3A_18 = arith.constant 32 : i32
    %scan3A_19 = arith.addi %scan3A_17, %scan3A_18 : i32
    %scan3A_20 = arith.constant 1 : i32
    scf.for %scan3A_105 = %scan3A_17 to %scan3A_19 step %scan3A_20  : i32 {
      %mul3A_106 = arith.constant 16 : i32
      %mul3A_107 = arith.muli %mul3A_106, %scan3A_105 : i32
      %add3A_108 = vector.broadcast %mul3A_107 : i32 to vector<16xi32>
      %add3A_109 = arith.addi %iota3A, %add3A_108 : vector<16xi32>
      %mul3A_110 = arith.constant 16 : i32
      %mul3A_111 = arith.muli %mul3A_110, %scan3A_105 : i32
      %swap3A = arith.index_cast %mul3A_111 : i32 to index
      %swap3A_112 = tpu.vector_load %arg12[%swap3A] {strides = array<i32>} : memref<512xi32, #tpu.memory_space<vmem>>, vector<16xi32>,
      tpu.vector_store %arg12[%swap3A], %add3A_109 {strides = array<i32>} : memref<512xi32, #tpu.memory_space<vmem>>, vector<16xi32>,
    }
    %scan3A_21 = arith.constant 32 : i32
    %scan3A_22 = arith.constant 0 : i32
    %scan3A_23 = arith.constant 0 : i32
    %scan3A_24 = arith.constant 896 : i32
    %scan3A_25 = arith.addi %scan3A_23, %scan3A_24 : i32
    %scan3A_26 = arith.constant 1 : i32
    scf.for %scan3A_105 = %scan3A_23 to %scan3A_25 step %scan3A_26  : i32 {
      %mul3A_106 = arith.constant 16 : i32
      %mul3A_107 = arith.muli %mul3A_106, %scan3A_105 : i32
      %swap3A = arith.index_cast %mul3A_107 : i32 to index
      %swap3A_108 = tpu.vector_load %arg11[%swap3A] {strides = array<i32>} : memref<14336xf32, #tpu.memory_space<vmem>>, vector<16xf32>,
      tpu.vector_store %arg11[%swap3A], %broadcast_in_dim3A_3 {strides = array<i32>} : memref<14336xf32, #tpu.memory_space<vmem>>, vector<16xf32>,
    }
    %scan3A_27 = arith.constant 896 : i32
    %scan3A_28 = arith.constant 0 : i32
    %scan3A_29 = arith.constant 0 : i32
    %scan3A_30 = arith.constant 32 : i32
    %scan3A_31 = arith.addi %scan3A_29, %scan3A_30 : i32
    %scan3A_32 = arith.constant 1 : i32
    scf.for %scan3A_105 = %scan3A_29 to %scan3A_31 step %scan3A_32  : i32 {
      %mul3A_106 = arith.constant 16 : i32
      %mul3A_107 = arith.muli %mul3A_106, %scan3A_105 : i32
      %swap3A = arith.index_cast %mul3A_107 : i32 to index
      %swap3A_108 = tpu.vector_load %arg14[%swap3A] {strides = array<i32>} : memref<512xf32, #tpu.memory_space<vmem>>, vector<16xf32>,
      tpu.vector_store %arg14[%swap3A], %broadcast_in_dim3A_3 {strides = array<i32>} : memref<512xf32, #tpu.memory_space<vmem>>, vector<16xf32>,
    }
    %scan3A_33 = arith.constant 32 : i32
    %mul3A_34 = arith.constant 6256 : i32
    %mul3A_35 = arith.muli %arg1, %mul3A_34 : i32
    %add3A_36 = arith.constant 0 : i32
    %add3A_37 = arith.addi %mul3A_35, %add3A_36 : i32
    "tpu.region"() ({
      %run_scoped3A = tpu.sem_alloc : memref<!tpu.dma_semaphore, #tpu.memory_space<semaphore_mem>>
      %dma_start3A_105 = arith.constant 0 : i32
      %dma_start3A_106 = tpu.memref_slice %arg14[%dma_start3A_105] : memref<512xf32, #tpu.memory_space<vmem>> -> memref<512xf32, #tpu.memory_space<vmem>>
      %dma_start3A_107 = tpu.memref_slice %arg15[%add3A_37] : memref<100096xf32, #tpu.memory_space<vmem_shared>> -> memref<512xf32, #tpu.memory_space<vmem_shared>>
      %dma_start3A_108 = tpu.memref_slice %arg15[%add3A_37] : memref<100096xf32, #tpu.memory_space<vmem_shared>> -> memref<512xf32, #tpu.memory_space<vmem_shared>>
      %dma_start3A_109 = arith.constant 0 : i32
      %dma_start3A_110 = tpu.memref_slice %arg14[%dma_start3A_109] : memref<512xf32, #tpu.memory_space<vmem>> -> memref<512xf32, #tpu.memory_space<vmem>>
      tpu.enqueue_dma source(%dma_start3A_110 : memref<512xf32, #tpu.memory_space<vmem>>) target(%dma_start3A_108 : memref<512xf32, #tpu.memory_space<vmem_shared>>) target_semaphore(%run_scoped3A : memref<!tpu.dma_semaphore, #tpu.memory_space<semaphore_mem>>)
      %dma_wait3A = arith.constant 0 : i32
      %dma_wait3A_111 = tpu.memref_slice %arg14[%dma_wait3A] : memref<512xf32, #tpu.memory_space<vmem>> -> memref<512xf32, #tpu.memory_space<vmem>>
      %dma_wait3A_112 = tpu.memref_slice %arg15[%add3A_37] : memref<100096xf32, #tpu.memory_space<vmem_shared>> -> memref<512xf32, #tpu.memory_space<vmem_shared>>
      %dma_wait3A_113 = tpu.memref_slice %arg15[%add3A_37] : memref<100096xf32, #tpu.memory_space<vmem_shared>> -> memref<512xf32, #tpu.memory_space<vmem_shared>>
      %dma_wait3A_114 = arith.constant 0 : i32
      %dma_wait3A_115 = tpu.memref_slice %arg14[%dma_wait3A_114] : memref<512xf32, #tpu.memory_space<vmem>> -> memref<512xf32, #tpu.memory_space<vmem>>
      tpu.wait_dma2 semaphore(%run_scoped3A : memref<!tpu.dma_semaphore, #tpu.memory_space<semaphore_mem>>) src(%dma_wait3A_115 : memref<512xf32, #tpu.memory_space<vmem>>) dst(%dma_wait3A_113 : memref<512xf32, #tpu.memory_space<vmem_shared>>)
      tpu.yield
    }) : () -> ()
    %mul3A_38 = arith.constant 6256 : i32
    %mul3A_39 = arith.muli %arg1, %mul3A_38 : i32
    %add3A_40 = arith.constant 512 : i32
    %add3A_41 = arith.addi %mul3A_39, %add3A_40 : i32
    "tpu.region"() ({
      %run_scoped3A = tpu.sem_alloc : memref<!tpu.dma_semaphore, #tpu.memory_space<semaphore_mem>>
      %dma_start3A_105 = arith.constant 0 : i32
      %dma_start3A_106 = tpu.memref_slice %arg14[%dma_start3A_105] : memref<512xf32, #tpu.memory_space<vmem>> -> memref<512xf32, #tpu.memory_space<vmem>>
      %dma_start3A_107 = tpu.memref_slice %arg15[%add3A_41] : memref<100096xf32, #tpu.memory_space<vmem_shared>> -> memref<512xf32, #tpu.memory_space<vmem_shared>>
      %dma_start3A_108 = tpu.memref_slice %arg15[%add3A_41] : memref<100096xf32, #tpu.memory_space<vmem_shared>> -> memref<512xf32, #tpu.memory_space<vmem_shared>>
      %dma_start3A_109 = arith.constant 0 : i32
      %dma_start3A_110 = tpu.memref_slice %arg14[%dma_start3A_109] : memref<512xf32, #tpu.memory_space<vmem>> -> memref<512xf32, #tpu.memory_space<vmem>>
      tpu.enqueue_dma source(%dma_start3A_110 : memref<512xf32, #tpu.memory_space<vmem>>) target(%dma_start3A_108 : memref<512xf32, #tpu.memory_space<vmem_shared>>) target_semaphore(%run_scoped3A : memref<!tpu.dma_semaphore, #tpu.memory_space<semaphore_mem>>)
      %dma_wait3A = arith.constant 0 : i32
      %dma_wait3A_111 = tpu.memref_slice %arg14[%dma_wait3A] : memref<512xf32, #tpu.memory_space<vmem>> -> memref<512xf32, #tpu.memory_space<vmem>>
      %dma_wait3A_112 = tpu.memref_slice %arg15[%add3A_41] : memref<100096xf32, #tpu.memory_space<vmem_shared>> -> memref<512xf32, #tpu.memory_space<vmem_shared>>
      %dma_wait3A_113 = tpu.memref_slice %arg15[%add3A_41] : memref<100096xf32, #tpu.memory_space<vmem_shared>> -> memref<512xf32, #tpu.memory_space<vmem_shared>>
      %dma_wait3A_114 = arith.constant 0 : i32
      %dma_wait3A_115 = tpu.memref_slice %arg14[%dma_wait3A_114] : memref<512xf32, #tpu.memory_space<vmem>> -> memref<512xf32, #tpu.memory_space<vmem>>
      tpu.wait_dma2 semaphore(%run_scoped3A : memref<!tpu.dma_semaphore, #tpu.memory_space<semaphore_mem>>) src(%dma_wait3A_115 : memref<512xf32, #tpu.memory_space<vmem>>) dst(%dma_wait3A_113 : memref<512xf32, #tpu.memory_space<vmem_shared>>)
      tpu.yield
    }) : () -> ()
    %mul3A_42 = arith.constant 6256 : i32
    %mul3A_43 = arith.muli %arg1, %mul3A_42 : i32
    %add3A_44 = arith.constant 1024 : i32
    %add3A_45 = arith.addi %mul3A_43, %add3A_44 : i32
    "tpu.region"() ({
      %run_scoped3A = tpu.sem_alloc : memref<!tpu.dma_semaphore, #tpu.memory_space<semaphore_mem>>
      %dma_start3A_105 = arith.constant 0 : i32
      %dma_start3A_106 = tpu.memref_slice %arg14[%dma_start3A_105] : memref<512xf32, #tpu.memory_space<vmem>> -> memref<512xf32, #tpu.memory_space<vmem>>
      %dma_start3A_107 = tpu.memref_slice %arg15[%add3A_45] : memref<100096xf32, #tpu.memory_space<vmem_shared>> -> memref<512xf32, #tpu.memory_space<vmem_shared>>
      %dma_start3A_108 = tpu.memref_slice %arg15[%add3A_45] : memref<100096xf32, #tpu.memory_space<vmem_shared>> -> memref<512xf32, #tpu.memory_space<vmem_shared>>
      %dma_start3A_109 = arith.constant 0 : i32
      %dma_start3A_110 = tpu.memref_slice %arg14[%dma_start3A_109] : memref<512xf32, #tpu.memory_space<vmem>> -> memref<512xf32, #tpu.memory_space<vmem>>
      tpu.enqueue_dma source(%dma_start3A_110 : memref<512xf32, #tpu.memory_space<vmem>>) target(%dma_start3A_108 : memref<512xf32, #tpu.memory_space<vmem_shared>>) target_semaphore(%run_scoped3A : memref<!tpu.dma_semaphore, #tpu.memory_space<semaphore_mem>>)
      %dma_wait3A = arith.constant 0 : i32
      %dma_wait3A_111 = tpu.memref_slice %arg14[%dma_wait3A] : memref<512xf32, #tpu.memory_space<vmem>> -> memref<512xf32, #tpu.memory_space<vmem>>
      %dma_wait3A_112 = tpu.memref_slice %arg15[%add3A_45] : memref<100096xf32, #tpu.memory_space<vmem_shared>> -> memref<512xf32, #tpu.memory_space<vmem_shared>>
      %dma_wait3A_113 = tpu.memref_slice %arg15[%add3A_45] : memref<100096xf32, #tpu.memory_space<vmem_shared>> -> memref<512xf32, #tpu.memory_space<vmem_shared>>
      %dma_wait3A_114 = arith.constant 0 : i32
      %dma_wait3A_115 = tpu.memref_slice %arg14[%dma_wait3A_114] : memref<512xf32, #tpu.memory_space<vmem>> -> memref<512xf32, #tpu.memory_space<vmem>>
      tpu.wait_dma2 semaphore(%run_scoped3A : memref<!tpu.dma_semaphore, #tpu.memory_space<semaphore_mem>>) src(%dma_wait3A_115 : memref<512xf32, #tpu.memory_space<vmem>>) dst(%dma_wait3A_113 : memref<512xf32, #tpu.memory_space<vmem_shared>>)
      tpu.yield
    }) : () -> ()
    %mul3A_46 = arith.constant 6256 : i32
    %mul3A_47 = arith.muli %arg1, %mul3A_46 : i32
    %add3A_48 = arith.constant 1536 : i32
    %add3A_49 = arith.addi %mul3A_47, %add3A_48 : i32
    "tpu.region"() ({
      %run_scoped3A = tpu.sem_alloc : memref<!tpu.dma_semaphore, #tpu.memory_space<semaphore_mem>>
      %dma_start3A_105 = arith.constant 0 : i32
      %dma_start3A_106 = tpu.memref_slice %arg14[%dma_start3A_105] : memref<512xf32, #tpu.memory_space<vmem>> -> memref<512xf32, #tpu.memory_space<vmem>>
      %dma_start3A_107 = tpu.memref_slice %arg15[%add3A_49] : memref<100096xf32, #tpu.memory_space<vmem_shared>> -> memref<512xf32, #tpu.memory_space<vmem_shared>>
      %dma_start3A_108 = tpu.memref_slice %arg15[%add3A_49] : memref<100096xf32, #tpu.memory_space<vmem_shared>> -> memref<512xf32, #tpu.memory_space<vmem_shared>>
      %dma_start3A_109 = arith.constant 0 : i32
      %dma_start3A_110 = tpu.memref_slice %arg14[%dma_start3A_109] : memref<512xf32, #tpu.memory_space<vmem>> -> memref<512xf32, #tpu.memory_space<vmem>>
      tpu.enqueue_dma source(%dma_start3A_110 : memref<512xf32, #tpu.memory_space<vmem>>) target(%dma_start3A_108 : memref<512xf32, #tpu.memory_space<vmem_shared>>) target_semaphore(%run_scoped3A : memref<!tpu.dma_semaphore, #tpu.memory_space<semaphore_mem>>)
      %dma_wait3A = arith.constant 0 : i32
      %dma_wait3A_111 = tpu.memref_slice %arg14[%dma_wait3A] : memref<512xf32, #tpu.memory_space<vmem>> -> memref<512xf32, #tpu.memory_space<vmem>>
      %dma_wait3A_112 = tpu.memref_slice %arg15[%add3A_49] : memref<100096xf32, #tpu.memory_space<vmem_shared>> -> memref<512xf32, #tpu.memory_space<vmem_shared>>
      %dma_wait3A_113 = tpu.memref_slice %arg15[%add3A_49] : memref<100096xf32, #tpu.memory_space<vmem_shared>> -> memref<512xf32, #tpu.memory_space<vmem_shared>>
      %dma_wait3A_114 = arith.constant 0 : i32
      %dma_wait3A_115 = tpu.memref_slice %arg14[%dma_wait3A_114] : memref<512xf32, #tpu.memory_space<vmem>> -> memref<512xf32, #tpu.memory_space<vmem>>
      tpu.wait_dma2 semaphore(%run_scoped3A : memref<!tpu.dma_semaphore, #tpu.memory_space<semaphore_mem>>) src(%dma_wait3A_115 : memref<512xf32, #tpu.memory_space<vmem>>) dst(%dma_wait3A_113 : memref<512xf32, #tpu.memory_space<vmem_shared>>)
      tpu.yield
    }) : () -> ()
    %mul3A_50 = arith.constant 6256 : i32
    %mul3A_51 = arith.muli %arg1, %mul3A_50 : i32
    %add3A_52 = arith.constant 2048 : i32
    %add3A_53 = arith.addi %mul3A_51, %add3A_52 : i32
    "tpu.region"() ({
      %run_scoped3A = tpu.sem_alloc : memref<!tpu.dma_semaphore, #tpu.memory_space<semaphore_mem>>
      %dma_start3A_105 = arith.constant 0 : i32
      %dma_start3A_106 = tpu.memref_slice %arg14[%dma_start3A_105] : memref<512xf32, #tpu.memory_space<vmem>> -> memref<512xf32, #tpu.memory_space<vmem>>
      %dma_start3A_107 = tpu.memref_slice %arg15[%add3A_53] : memref<100096xf32, #tpu.memory_space<vmem_shared>> -> memref<512xf32, #tpu.memory_space<vmem_shared>>
      %dma_start3A_108 = tpu.memref_slice %arg15[%add3A_53] : memref<100096xf32, #tpu.memory_space<vmem_shared>> -> memref<512xf32, #tpu.memory_space<vmem_shared>>
      %dma_start3A_109 = arith.constant 0 : i32
      %dma_start3A_110 = tpu.memref_slice %arg14[%dma_start3A_109] : memref<512xf32, #tpu.memory_space<vmem>> -> memref<512xf32, #tpu.memory_space<vmem>>
      tpu.enqueue_dma source(%dma_start3A_110 : memref<512xf32, #tpu.memory_space<vmem>>) target(%dma_start3A_108 : memref<512xf32, #tpu.memory_space<vmem_shared>>) target_semaphore(%run_scoped3A : memref<!tpu.dma_semaphore, #tpu.memory_space<semaphore_mem>>)
      %dma_wait3A = arith.constant 0 : i32
      %dma_wait3A_111 = tpu.memref_slice %arg14[%dma_wait3A] : memref<512xf32, #tpu.memory_space<vmem>> -> memref<512xf32, #tpu.memory_space<vmem>>
      %dma_wait3A_112 = tpu.memref_slice %arg15[%add3A_53] : memref<100096xf32, #tpu.memory_space<vmem_shared>> -> memref<512xf32, #tpu.memory_space<vmem_shared>>
      %dma_wait3A_113 = tpu.memref_slice %arg15[%add3A_53] : memref<100096xf32, #tpu.memory_space<vmem_shared>> -> memref<512xf32, #tpu.memory_space<vmem_shared>>
      %dma_wait3A_114 = arith.constant 0 : i32
      %dma_wait3A_115 = tpu.memref_slice %arg14[%dma_wait3A_114] : memref<512xf32, #tpu.memory_space<vmem>> -> memref<512xf32, #tpu.memory_space<vmem>>
      tpu.wait_dma2 semaphore(%run_scoped3A : memref<!tpu.dma_semaphore, #tpu.memory_space<semaphore_mem>>) src(%dma_wait3A_115 : memref<512xf32, #tpu.memory_space<vmem>>) dst(%dma_wait3A_113 : memref<512xf32, #tpu.memory_space<vmem_shared>>)
      tpu.yield
    }) : () -> ()
    %mul3A_54 = arith.constant 6256 : i32
    %mul3A_55 = arith.muli %arg1, %mul3A_54 : i32
    %add3A_56 = arith.constant 2560 : i32
    %add3A_57 = arith.addi %mul3A_55, %add3A_56 : i32
    "tpu.region"() ({
      %run_scoped3A = tpu.sem_alloc : memref<!tpu.dma_semaphore, #tpu.memory_space<semaphore_mem>>
      %dma_start3A_105 = arith.constant 0 : i32
      %dma_start3A_106 = tpu.memref_slice %arg14[%dma_start3A_105] : memref<512xf32, #tpu.memory_space<vmem>> -> memref<512xf32, #tpu.memory_space<vmem>>
      %dma_start3A_107 = tpu.memref_slice %arg15[%add3A_57] : memref<100096xf32, #tpu.memory_space<vmem_shared>> -> memref<512xf32, #tpu.memory_space<vmem_shared>>
      %dma_start3A_108 = tpu.memref_slice %arg15[%add3A_57] : memref<100096xf32, #tpu.memory_space<vmem_shared>> -> memref<512xf32, #tpu.memory_space<vmem_shared>>
      %dma_start3A_109 = arith.constant 0 : i32
      %dma_start3A_110 = tpu.memref_slice %arg14[%dma_start3A_109] : memref<512xf32, #tpu.memory_space<vmem>> -> memref<512xf32, #tpu.memory_space<vmem>>
      tpu.enqueue_dma source(%dma_start3A_110 : memref<512xf32, #tpu.memory_space<vmem>>) target(%dma_start3A_108 : memref<512xf32, #tpu.memory_space<vmem_shared>>) target_semaphore(%run_scoped3A : memref<!tpu.dma_semaphore, #tpu.memory_space<semaphore_mem>>)
      %dma_wait3A = arith.constant 0 : i32
      %dma_wait3A_111 = tpu.memref_slice %arg14[%dma_wait3A] : memref<512xf32, #tpu.memory_space<vmem>> -> memref<512xf32, #tpu.memory_space<vmem>>
      %dma_wait3A_112 = tpu.memref_slice %arg15[%add3A_57] : memref<100096xf32, #tpu.memory_space<vmem_shared>> -> memref<512xf32, #tpu.memory_space<vmem_shared>>
      %dma_wait3A_113 = tpu.memref_slice %arg15[%add3A_57] : memref<100096xf32, #tpu.memory_space<vmem_shared>> -> memref<512xf32, #tpu.memory_space<vmem_shared>>
      %dma_wait3A_114 = arith.constant 0 : i32
      %dma_wait3A_115 = tpu.memref_slice %arg14[%dma_wait3A_114] : memref<512xf32, #tpu.memory_space<vmem>> -> memref<512xf32, #tpu.memory_space<vmem>>
      tpu.wait_dma2 semaphore(%run_scoped3A : memref<!tpu.dma_semaphore, #tpu.memory_space<semaphore_mem>>) src(%dma_wait3A_115 : memref<512xf32, #tpu.memory_space<vmem>>) dst(%dma_wait3A_113 : memref<512xf32, #tpu.memory_space<vmem_shared>>)
      tpu.yield
    }) : () -> ()
    %mul3A_58 = arith.constant 6256 : i32
    %mul3A_59 = arith.muli %arg1, %mul3A_58 : i32
    %add3A_60 = arith.constant 3072 : i32
    %add3A_61 = arith.addi %mul3A_59, %add3A_60 : i32
    "tpu.region"() ({
      %run_scoped3A = tpu.sem_alloc : memref<!tpu.dma_semaphore, #tpu.memory_space<semaphore_mem>>
      %dma_start3A_105 = arith.constant 0 : i32
      %dma_start3A_106 = tpu.memref_slice %arg14[%dma_start3A_105] : memref<512xf32, #tpu.memory_space<vmem>> -> memref<512xf32, #tpu.memory_space<vmem>>
      %dma_start3A_107 = tpu.memref_slice %arg15[%add3A_61] : memref<100096xf32, #tpu.memory_space<vmem_shared>> -> memref<512xf32, #tpu.memory_space<vmem_shared>>
      %dma_start3A_108 = tpu.memref_slice %arg15[%add3A_61] : memref<100096xf32, #tpu.memory_space<vmem_shared>> -> memref<512xf32, #tpu.memory_space<vmem_shared>>
      %dma_start3A_109 = arith.constant 0 : i32
      %dma_start3A_110 = tpu.memref_slice %arg14[%dma_start3A_109] : memref<512xf32, #tpu.memory_space<vmem>> -> memref<512xf32, #tpu.memory_space<vmem>>
      tpu.enqueue_dma source(%dma_start3A_110 : memref<512xf32, #tpu.memory_space<vmem>>) target(%dma_start3A_108 : memref<512xf32, #tpu.memory_space<vmem_shared>>) target_semaphore(%run_scoped3A : memref<!tpu.dma_semaphore, #tpu.memory_space<semaphore_mem>>)
      %dma_wait3A = arith.constant 0 : i32
      %dma_wait3A_111 = tpu.memref_slice %arg14[%dma_wait3A] : memref<512xf32, #tpu.memory_space<vmem>> -> memref<512xf32, #tpu.memory_space<vmem>>
      %dma_wait3A_112 = tpu.memref_slice %arg15[%add3A_61] : memref<100096xf32, #tpu.memory_space<vmem_shared>> -> memref<512xf32, #tpu.memory_space<vmem_shared>>
      %dma_wait3A_113 = tpu.memref_slice %arg15[%add3A_61] : memref<100096xf32, #tpu.memory_space<vmem_shared>> -> memref<512xf32, #tpu.memory_space<vmem_shared>>
      %dma_wait3A_114 = arith.constant 0 : i32
      %dma_wait3A_115 = tpu.memref_slice %arg14[%dma_wait3A_114] : memref<512xf32, #tpu.memory_space<vmem>> -> memref<512xf32, #tpu.memory_space<vmem>>
      tpu.wait_dma2 semaphore(%run_scoped3A : memref<!tpu.dma_semaphore, #tpu.memory_space<semaphore_mem>>) src(%dma_wait3A_115 : memref<512xf32, #tpu.memory_space<vmem>>) dst(%dma_wait3A_113 : memref<512xf32, #tpu.memory_space<vmem_shared>>)
      tpu.yield
    }) : () -> ()
    %mul3A_62 = arith.constant 6256 : i32
    %mul3A_63 = arith.muli %arg1, %mul3A_62 : i32
    %add3A_64 = arith.constant 3584 : i32
    %add3A_65 = arith.addi %mul3A_63, %add3A_64 : i32
    "tpu.region"() ({
      %run_scoped3A = tpu.sem_alloc : memref<!tpu.dma_semaphore, #tpu.memory_space<semaphore_mem>>
      %dma_start3A_105 = arith.constant 0 : i32
      %dma_start3A_106 = tpu.memref_slice %arg14[%dma_start3A_105] : memref<512xf32, #tpu.memory_space<vmem>> -> memref<512xf32, #tpu.memory_space<vmem>>
      %dma_start3A_107 = tpu.memref_slice %arg15[%add3A_65] : memref<100096xf32, #tpu.memory_space<vmem_shared>> -> memref<512xf32, #tpu.memory_space<vmem_shared>>
      %dma_start3A_108 = tpu.memref_slice %arg15[%add3A_65] : memref<100096xf32, #tpu.memory_space<vmem_shared>> -> memref<512xf32, #tpu.memory_space<vmem_shared>>
      %dma_start3A_109 = arith.constant 0 : i32
      %dma_start3A_110 = tpu.memref_slice %arg14[%dma_start3A_109] : memref<512xf32, #tpu.memory_space<vmem>> -> memref<512xf32, #tpu.memory_space<vmem>>
      tpu.enqueue_dma source(%dma_start3A_110 : memref<512xf32, #tpu.memory_space<vmem>>) target(%dma_start3A_108 : memref<512xf32, #tpu.memory_space<vmem_shared>>) target_semaphore(%run_scoped3A : memref<!tpu.dma_semaphore, #tpu.memory_space<semaphore_mem>>)
      %dma_wait3A = arith.constant 0 : i32
      %dma_wait3A_111 = tpu.memref_slice %arg14[%dma_wait3A] : memref<512xf32, #tpu.memory_space<vmem>> -> memref<512xf32, #tpu.memory_space<vmem>>
      %dma_wait3A_112 = tpu.memref_slice %arg15[%add3A_65] : memref<100096xf32, #tpu.memory_space<vmem_shared>> -> memref<512xf32, #tpu.memory_space<vmem_shared>>
      %dma_wait3A_113 = tpu.memref_slice %arg15[%add3A_65] : memref<100096xf32, #tpu.memory_space<vmem_shared>> -> memref<512xf32, #tpu.memory_space<vmem_shared>>
      %dma_wait3A_114 = arith.constant 0 : i32
      %dma_wait3A_115 = tpu.memref_slice %arg14[%dma_wait3A_114] : memref<512xf32, #tpu.memory_space<vmem>> -> memref<512xf32, #tpu.memory_space<vmem>>
      tpu.wait_dma2 semaphore(%run_scoped3A : memref<!tpu.dma_semaphore, #tpu.memory_space<semaphore_mem>>) src(%dma_wait3A_115 : memref<512xf32, #tpu.memory_space<vmem>>) dst(%dma_wait3A_113 : memref<512xf32, #tpu.memory_space<vmem_shared>>)
      tpu.yield
    }) : () -> ()
    %mul3A_66 = arith.constant 6256 : i32
    %mul3A_67 = arith.muli %arg1, %mul3A_66 : i32
    %add3A_68 = arith.constant 4096 : i32
    %add3A_69 = arith.addi %mul3A_67, %add3A_68 : i32
    "tpu.region"() ({
      %run_scoped3A = tpu.sem_alloc : memref<!tpu.dma_semaphore, #tpu.memory_space<semaphore_mem>>
      %dma_start3A_105 = arith.constant 0 : i32
      %dma_start3A_106 = tpu.memref_slice %arg14[%dma_start3A_105] : memref<512xf32, #tpu.memory_space<vmem>> -> memref<512xf32, #tpu.memory_space<vmem>>
      %dma_start3A_107 = tpu.memref_slice %arg15[%add3A_69] : memref<100096xf32, #tpu.memory_space<vmem_shared>> -> memref<512xf32, #tpu.memory_space<vmem_shared>>
      %dma_start3A_108 = tpu.memref_slice %arg15[%add3A_69] : memref<100096xf32, #tpu.memory_space<vmem_shared>> -> memref<512xf32, #tpu.memory_space<vmem_shared>>
      %dma_start3A_109 = arith.constant 0 : i32
      %dma_start3A_110 = tpu.memref_slice %arg14[%dma_start3A_109] : memref<512xf32, #tpu.memory_space<vmem>> -> memref<512xf32, #tpu.memory_space<vmem>>
      tpu.enqueue_dma source(%dma_start3A_110 : memref<512xf32, #tpu.memory_space<vmem>>) target(%dma_start3A_108 : memref<512xf32, #tpu.memory_space<vmem_shared>>) target_semaphore(%run_scoped3A : memref<!tpu.dma_semaphore, #tpu.memory_space<semaphore_mem>>)
      %dma_wait3A = arith.constant 0 : i32
      %dma_wait3A_111 = tpu.memref_slice %arg14[%dma_wait3A] : memref<512xf32, #tpu.memory_space<vmem>> -> memref<512xf32, #tpu.memory_space<vmem>>
      %dma_wait3A_112 = tpu.memref_slice %arg15[%add3A_69] : memref<100096xf32, #tpu.memory_space<vmem_shared>> -> memref<512xf32, #tpu.memory_space<vmem_shared>>
      %dma_wait3A_113 = tpu.memref_slice %arg15[%add3A_69] : memref<100096xf32, #tpu.memory_space<vmem_shared>> -> memref<512xf32, #tpu.memory_space<vmem_shared>>
      %dma_wait3A_114 = arith.constant 0 : i32
      %dma_wait3A_115 = tpu.memref_slice %arg14[%dma_wait3A_114] : memref<512xf32, #tpu.memory_space<vmem>> -> memref<512xf32, #tpu.memory_space<vmem>>
      tpu.wait_dma2 semaphore(%run_scoped3A : memref<!tpu.dma_semaphore, #tpu.memory_space<semaphore_mem>>) src(%dma_wait3A_115 : memref<512xf32, #tpu.memory_space<vmem>>) dst(%dma_wait3A_113 : memref<512xf32, #tpu.memory_space<vmem_shared>>)
      tpu.yield
    }) : () -> ()
    %mul3A_70 = arith.constant 6256 : i32
    %mul3A_71 = arith.muli %arg1, %mul3A_70 : i32
    %add3A_72 = arith.constant 4608 : i32
    %add3A_73 = arith.addi %mul3A_71, %add3A_72 : i32
    "tpu.region"() ({
      %run_scoped3A = tpu.sem_alloc : memref<!tpu.dma_semaphore, #tpu.memory_space<semaphore_mem>>
      %dma_start3A_105 = arith.constant 0 : i32
      %dma_start3A_106 = tpu.memref_slice %arg14[%dma_start3A_105] : memref<512xf32, #tpu.memory_space<vmem>> -> memref<512xf32, #tpu.memory_space<vmem>>
      %dma_start3A_107 = tpu.memref_slice %arg15[%add3A_73] : memref<100096xf32, #tpu.memory_space<vmem_shared>> -> memref<512xf32, #tpu.memory_space<vmem_shared>>
      %dma_start3A_108 = tpu.memref_slice %arg15[%add3A_73] : memref<100096xf32, #tpu.memory_space<vmem_shared>> -> memref<512xf32, #tpu.memory_space<vmem_shared>>
      %dma_start3A_109 = arith.constant 0 : i32
      %dma_start3A_110 = tpu.memref_slice %arg14[%dma_start3A_109] : memref<512xf32, #tpu.memory_space<vmem>> -> memref<512xf32, #tpu.memory_space<vmem>>
      tpu.enqueue_dma source(%dma_start3A_110 : memref<512xf32, #tpu.memory_space<vmem>>) target(%dma_start3A_108 : memref<512xf32, #tpu.memory_space<vmem_shared>>) target_semaphore(%run_scoped3A : memref<!tpu.dma_semaphore, #tpu.memory_space<semaphore_mem>>)
      %dma_wait3A = arith.constant 0 : i32
      %dma_wait3A_111 = tpu.memref_slice %arg14[%dma_wait3A] : memref<512xf32, #tpu.memory_space<vmem>> -> memref<512xf32, #tpu.memory_space<vmem>>
      %dma_wait3A_112 = tpu.memref_slice %arg15[%add3A_73] : memref<100096xf32, #tpu.memory_space<vmem_shared>> -> memref<512xf32, #tpu.memory_space<vmem_shared>>
      %dma_wait3A_113 = tpu.memref_slice %arg15[%add3A_73] : memref<100096xf32, #tpu.memory_space<vmem_shared>> -> memref<512xf32, #tpu.memory_space<vmem_shared>>
      %dma_wait3A_114 = arith.constant 0 : i32
      %dma_wait3A_115 = tpu.memref_slice %arg14[%dma_wait3A_114] : memref<512xf32, #tpu.memory_space<vmem>> -> memref<512xf32, #tpu.memory_space<vmem>>
      tpu.wait_dma2 semaphore(%run_scoped3A : memref<!tpu.dma_semaphore, #tpu.memory_space<semaphore_mem>>) src(%dma_wait3A_115 : memref<512xf32, #tpu.memory_space<vmem>>) dst(%dma_wait3A_113 : memref<512xf32, #tpu.memory_space<vmem_shared>>)
      tpu.yield
    }) : () -> ()
    %mul3A_74 = arith.constant 6256 : i32
    %mul3A_75 = arith.muli %arg1, %mul3A_74 : i32
    %add3A_76 = arith.constant 5120 : i32
    %add3A_77 = arith.addi %mul3A_75, %add3A_76 : i32
    "tpu.region"() ({
      %run_scoped3A = tpu.sem_alloc : memref<!tpu.dma_semaphore, #tpu.memory_space<semaphore_mem>>
      %dma_start3A_105 = arith.constant 0 : i32
      %dma_start3A_106 = tpu.memref_slice %arg14[%dma_start3A_105] : memref<512xf32, #tpu.memory_space<vmem>> -> memref<512xf32, #tpu.memory_space<vmem>>
      %dma_start3A_107 = tpu.memref_slice %arg15[%add3A_77] : memref<100096xf32, #tpu.memory_space<vmem_shared>> -> memref<512xf32, #tpu.memory_space<vmem_shared>>
      %dma_start3A_108 = tpu.memref_slice %arg15[%add3A_77] : memref<100096xf32, #tpu.memory_space<vmem_shared>> -> memref<512xf32, #tpu.memory_space<vmem_shared>>
      %dma_start3A_109 = arith.constant 0 : i32
      %dma_start3A_110 = tpu.memref_slice %arg14[%dma_start3A_109] : memref<512xf32, #tpu.memory_space<vmem>> -> memref<512xf32, #tpu.memory_space<vmem>>
      tpu.enqueue_dma source(%dma_start3A_110 : memref<512xf32, #tpu.memory_space<vmem>>) target(%dma_start3A_108 : memref<512xf32, #tpu.memory_space<vmem_shared>>) target_semaphore(%run_scoped3A : memref<!tpu.dma_semaphore, #tpu.memory_space<semaphore_mem>>)
      %dma_wait3A = arith.constant 0 : i32
      %dma_wait3A_111 = tpu.memref_slice %arg14[%dma_wait3A] : memref<512xf32, #tpu.memory_space<vmem>> -> memref<512xf32, #tpu.memory_space<vmem>>
      %dma_wait3A_112 = tpu.memref_slice %arg15[%add3A_77] : memref<100096xf32, #tpu.memory_space<vmem_shared>> -> memref<512xf32, #tpu.memory_space<vmem_shared>>
      %dma_wait3A_113 = tpu.memref_slice %arg15[%add3A_77] : memref<100096xf32, #tpu.memory_space<vmem_shared>> -> memref<512xf32, #tpu.memory_space<vmem_shared>>
      %dma_wait3A_114 = arith.constant 0 : i32
      %dma_wait3A_115 = tpu.memref_slice %arg14[%dma_wait3A_114] : memref<512xf32, #tpu.memory_space<vmem>> -> memref<512xf32, #tpu.memory_space<vmem>>
      tpu.wait_dma2 semaphore(%run_scoped3A : memref<!tpu.dma_semaphore, #tpu.memory_space<semaphore_mem>>) src(%dma_wait3A_115 : memref<512xf32, #tpu.memory_space<vmem>>) dst(%dma_wait3A_113 : memref<512xf32, #tpu.memory_space<vmem_shared>>)
      tpu.yield
    }) : () -> ()
    %mul3A_78 = arith.constant 6256 : i32
    %mul3A_79 = arith.muli %arg1, %mul3A_78 : i32
    %add3A_80 = arith.constant 5632 : i32
    %add3A_81 = arith.addi %mul3A_79, %add3A_80 : i32
    "tpu.region"() ({
      %run_scoped3A = tpu.sem_alloc : memref<!tpu.dma_semaphore, #tpu.memory_space<semaphore_mem>>
      %dma_start3A_105 = arith.constant 0 : i32
      %dma_start3A_106 = tpu.memref_slice %arg14[%dma_start3A_105] : memref<512xf32, #tpu.memory_space<vmem>> -> memref<512xf32, #tpu.memory_space<vmem>>
      %dma_start3A_107 = tpu.memref_slice %arg15[%add3A_81] : memref<100096xf32, #tpu.memory_space<vmem_shared>> -> memref<512xf32, #tpu.memory_space<vmem_shared>>
      %dma_start3A_108 = tpu.memref_slice %arg15[%add3A_81] : memref<100096xf32, #tpu.memory_space<vmem_shared>> -> memref<512xf32, #tpu.memory_space<vmem_shared>>
      %dma_start3A_109 = arith.constant 0 : i32
      %dma_start3A_110 = tpu.memref_slice %arg14[%dma_start3A_109] : memref<512xf32, #tpu.memory_space<vmem>> -> memref<512xf32, #tpu.memory_space<vmem>>
      tpu.enqueue_dma source(%dma_start3A_110 : memref<512xf32, #tpu.memory_space<vmem>>) target(%dma_start3A_108 : memref<512xf32, #tpu.memory_space<vmem_shared>>) target_semaphore(%run_scoped3A : memref<!tpu.dma_semaphore, #tpu.memory_space<semaphore_mem>>)
      %dma_wait3A = arith.constant 0 : i32
      %dma_wait3A_111 = tpu.memref_slice %arg14[%dma_wait3A] : memref<512xf32, #tpu.memory_space<vmem>> -> memref<512xf32, #tpu.memory_space<vmem>>
      %dma_wait3A_112 = tpu.memref_slice %arg15[%add3A_81] : memref<100096xf32, #tpu.memory_space<vmem_shared>> -> memref<512xf32, #tpu.memory_space<vmem_shared>>
      %dma_wait3A_113 = tpu.memref_slice %arg15[%add3A_81] : memref<100096xf32, #tpu.memory_space<vmem_shared>> -> memref<512xf32, #tpu.memory_space<vmem_shared>>
      %dma_wait3A_114 = arith.constant 0 : i32
      %dma_wait3A_115 = tpu.memref_slice %arg14[%dma_wait3A_114] : memref<512xf32, #tpu.memory_space<vmem>> -> memref<512xf32, #tpu.memory_space<vmem>>
      tpu.wait_dma2 semaphore(%run_scoped3A : memref<!tpu.dma_semaphore, #tpu.memory_space<semaphore_mem>>) src(%dma_wait3A_115 : memref<512xf32, #tpu.memory_space<vmem>>) dst(%dma_wait3A_113 : memref<512xf32, #tpu.memory_space<vmem_shared>>)
      tpu.yield
    }) : () -> ()
    %mul3A_82 = arith.constant 6256 : i32
    %mul3A_83 = arith.muli %arg1, %mul3A_82 : i32
    %add3A_84 = arith.constant 6256 : i32
    %add3A_85 = arith.addi %mul3A_83, %add3A_84 : i32
    %sub3A = arith.constant 112 : i32
    %sub3A_86 = arith.subi %add3A_85, %sub3A : i32
    "tpu.region"() ({
      %run_scoped3A = tpu.sem_alloc : memref<!tpu.dma_semaphore, #tpu.memory_space<semaphore_mem>>
      %dma_start3A_105 = arith.constant 0 : i32
      %dma_start3A_106 = tpu.memref_slice %arg14[%dma_start3A_105] : memref<512xf32, #tpu.memory_space<vmem>> -> memref<112xf32, #tpu.memory_space<vmem>>
      %dma_start3A_107 = tpu.memref_slice %arg15[%sub3A_86] : memref<100096xf32, #tpu.memory_space<vmem_shared>> -> memref<112xf32, #tpu.memory_space<vmem_shared>>
      %dma_start3A_108 = tpu.memref_slice %arg15[%sub3A_86] : memref<100096xf32, #tpu.memory_space<vmem_shared>> -> memref<112xf32, #tpu.memory_space<vmem_shared>>
      %dma_start3A_109 = arith.constant 0 : i32
      %dma_start3A_110 = tpu.memref_slice %arg14[%dma_start3A_109] : memref<512xf32, #tpu.memory_space<vmem>> -> memref<112xf32, #tpu.memory_space<vmem>>
      tpu.enqueue_dma source(%dma_start3A_110 : memref<112xf32, #tpu.memory_space<vmem>>) target(%dma_start3A_108 : memref<112xf32, #tpu.memory_space<vmem_shared>>) target_semaphore(%run_scoped3A : memref<!tpu.dma_semaphore, #tpu.memory_space<semaphore_mem>>)
      %dma_wait3A = arith.constant 0 : i32
      %dma_wait3A_111 = tpu.memref_slice %arg14[%dma_wait3A] : memref<512xf32, #tpu.memory_space<vmem>> -> memref<112xf32, #tpu.memory_space<vmem>>
      %dma_wait3A_112 = tpu.memref_slice %arg15[%sub3A_86] : memref<100096xf32, #tpu.memory_space<vmem_shared>> -> memref<112xf32, #tpu.memory_space<vmem_shared>>
      %dma_wait3A_113 = tpu.memref_slice %arg15[%sub3A_86] : memref<100096xf32, #tpu.memory_space<vmem_shared>> -> memref<112xf32, #tpu.memory_space<vmem_shared>>
      %dma_wait3A_114 = arith.constant 0 : i32
      %dma_wait3A_115 = tpu.memref_slice %arg14[%dma_wait3A_114] : memref<512xf32, #tpu.memory_space<vmem>> -> memref<112xf32, #tpu.memory_space<vmem>>
      tpu.wait_dma2 semaphore(%run_scoped3A : memref<!tpu.dma_semaphore, #tpu.memory_space<semaphore_mem>>) src(%dma_wait3A_115 : memref<112xf32, #tpu.memory_space<vmem>>) dst(%dma_wait3A_113 : memref<112xf32, #tpu.memory_space<vmem_shared>>)
      tpu.yield
    }) : () -> ()
    %barrier3A = arith.constant 0 : index
    tpu.barrier barrier_id(%barrier3A)
    %scan3A_87 = arith.constant -1 : i32
    %scan3A_88 = arith.constant 0 : i32
    %scan3A_89 = arith.constant 0 : i32
    %scan3A_90 = arith.constant 50 : i32
    %scan3A_91 = arith.addi %scan3A_89, %scan3A_90 : i32
    %scan3A_92 = arith.constant 1 : i32
    %scan3A_93:2 = scf.for %scan3A_105 = %scan3A_89 to %scan3A_91 step %scan3A_92 iter_args(%scan3A_106 = %scan3A_87, %scan3A_107 = %scan3A_88) -> (i32, i32)  : i32 {
      %mul3A_108 = arith.constant 2 : i32
      %mul3A_109 = arith.muli %mul3A_108, %scan3A_105 : i32
      %add3A_110 = arith.constant 0 : i32
      %add3A_111 = arith.addi %mul3A_109, %add3A_110 : i32
      %dma_wait3A = arith.constant 0 : i32
      %dma_wait3A_112 = tpu.memref_slice %arg3[%dma_wait3A] : memref<6400000xi32, #tpu.memory_space<hbm>> -> memref<2000xi32, #tpu.memory_space<hbm>>
      %dma_wait3A_113 = arith.constant 0 : i32
      %dma_wait3A_114 = tpu.memref_slice %arg3[%dma_wait3A_113] : memref<6400000xi32, #tpu.memory_space<hbm>> -> memref<2000xi32, #tpu.memory_space<hbm>>
      tpu.wait_dma2 semaphore(%arg16 : memref<!tpu.dma_semaphore, #tpu.memory_space<semaphore_mem>>) src(%dma_wait3A_114 : memref<2000xi32, #tpu.memory_space<hbm>>) dst(%arg7 : memref<2000xi32, #tpu.memory_space<vmem>>)
      %dma_wait3A_115 = arith.constant 0 : i32
      %dma_wait3A_116 = tpu.memref_slice %arg9[%dma_wait3A_115] : memref<2016xi32, #tpu.memory_space<vmem>> -> memref<2000xi32, #tpu.memory_space<vmem>>
      %dma_wait3A_117 = arith.constant 0 : i32
      %dma_wait3A_118 = tpu.memref_slice %arg4[%dma_wait3A_117] : memref<6400000xi32, #tpu.memory_space<hbm>> -> memref<2000xi32, #tpu.memory_space<hbm>>
      %dma_wait3A_119 = arith.constant 0 : i32
      %dma_wait3A_120 = tpu.memref_slice %arg9[%dma_wait3A_119] : memref<2016xi32, #tpu.memory_space<vmem>> -> memref<2000xi32, #tpu.memory_space<vmem>>
      %dma_wait3A_121 = arith.constant 0 : i32
      %dma_wait3A_122 = tpu.memref_slice %arg4[%dma_wait3A_121] : memref<6400000xi32, #tpu.memory_space<hbm>> -> memref<2000xi32, #tpu.memory_space<hbm>>
      tpu.wait_dma2 semaphore(%arg18 : memref<!tpu.dma_semaphore, #tpu.memory_space<semaphore_mem>>) src(%dma_wait3A_122 : memref<2000xi32, #tpu.memory_space<hbm>>) dst(%dma_wait3A_120 : memref<2000xi32, #tpu.memory_space<vmem>>)
      %add3A_123 = arith.constant 1 : i32
      %add3A_124 = arith.addi %add3A_111, %add3A_123 : i32
      %lt3A = arith.constant 100 : i32
      %lt3A_125 = arith.cmpi slt, %add3A_124, %lt3A : i32
      %convert_element_type3A_126 = arith.extui %lt3A_125 : i1 to i32
      %cond3A_127 = arith.constant 0 : i32
      %cond3A_128 = arith.cmpi ne, %convert_element_type3A_126, %cond3A_127 : i32
      scf.if %cond3A_128 {
        %add3A_218 = arith.constant 1 : i32
        %add3A_219 = arith.addi %add3A_111, %add3A_218 : i32
        %mul3A_220 = arith.constant 200000 : i32
        %mul3A_221 = arith.muli %add3A, %mul3A_220 : i32
        %mul3A_222 = arith.constant 2000 : i32
        %mul3A_223 = arith.muli %add3A_219, %mul3A_222 : i32
        %add3A_224 = arith.addi %mul3A_221, %mul3A_223 : i32
        %dma_start3A_225 = tpu.memref_slice %arg3[%add3A_224] : memref<6400000xi32, #tpu.memory_space<hbm>> -> memref<2000xi32, #tpu.memory_space<hbm>>
        %dma_start3A_226 = tpu.memref_slice %arg3[%add3A_224] : memref<6400000xi32, #tpu.memory_space<hbm>> -> memref<2000xi32, #tpu.memory_space<hbm>>
        tpu.enqueue_dma source(%dma_start3A_226 : memref<2000xi32, #tpu.memory_space<hbm>>) target(%arg8 : memref<2000xi32, #tpu.memory_space<vmem>>) target_semaphore(%arg17 : memref<!tpu.dma_semaphore, #tpu.memory_space<semaphore_mem>>)
        %dma_start3A_227 = arith.constant 0 : i32
        %dma_start3A_228 = tpu.memref_slice %arg10[%dma_start3A_227] : memref<2016xi32, #tpu.memory_space<vmem>> -> memref<2000xi32, #tpu.memory_space<vmem>>
        %dma_start3A_229 = tpu.memref_slice %arg4[%add3A_224] : memref<6400000xi32, #tpu.memory_space<hbm>> -> memref<2000xi32, #tpu.memory_space<hbm>>
        %dma_start3A_230 = arith.constant 0 : i32
        %dma_start3A_231 = tpu.memref_slice %arg10[%dma_start3A_230] : memref<2016xi32, #tpu.memory_space<vmem>> -> memref<2000xi32, #tpu.memory_space<vmem>>
        %dma_start3A_232 = tpu.memref_slice %arg4[%add3A_224] : memref<6400000xi32, #tpu.memory_space<hbm>> -> memref<2000xi32, #tpu.memory_space<hbm>>
        tpu.enqueue_dma source(%dma_start3A_232 : memref<2000xi32, #tpu.memory_space<hbm>>) target(%dma_start3A_231 : memref<2000xi32, #tpu.memory_space<vmem>>) target_semaphore(%arg19 : memref<!tpu.dma_semaphore, #tpu.memory_space<semaphore_mem>>)
      } else {
      }
      %get3A = arith.constant 0 : index
      %get3A_129 = tpu.vector_load %arg9[%get3A] {strides = array<i32>} : memref<2016xi32, #tpu.memory_space<vmem>>, vector<16xi32>,
      %slice3A = vector.extract_strided_slice %get3A_129 {offsets = [0], sizes = [1], strides = [1]} : vector<16xi32> to vector<1xi32>
      %squeeze3A = vector.extract %slice3A[0] : i32 from vector<1xi32>
      %get3A_130 = arith.constant 1984 : index
      %get3A_131 = tpu.vector_load %arg9[%get3A_130] {strides = array<i32>} : memref<2016xi32, #tpu.memory_space<vmem>>, vector<16xi32>,
      %slice3A_132 = vector.extract_strided_slice %get3A_131 {offsets = [15], sizes = [1], strides = [1]} : vector<16xi32> to vector<1xi32>
      %squeeze3A_133 = vector.extract %slice3A_132[0] : i32 from vector<1xi32>
      %add3A_134 = arith.constant 1 : i32
      %add3A_135 = arith.addi %squeeze3A_133, %add3A_134 : i32
      %lt3A_136 = arith.constant 0 : i32
      %lt3A_137 = arith.cmpi slt, %scan3A_106, %lt3A_136 : i32
      %sub3A_138 = arith.subi %add3A_135, %scan3A_106 : i32
      %gt3A = arith.constant 14336 : i32
      %gt3A_139 = arith.cmpi sgt, %sub3A_138, %gt3A : i32
      %or3A = arith.ori %lt3A_137, %gt3A_139 : i1
      %ge3A_140 = arith.constant 0 : i32
      %ge3A_141 = arith.cmpi sge, %scan3A_106, %ge3A_140 : i32
      %and3A = arith.andi %or3A, %ge3A_141 : i1
      %convert_element_type3A_142 = arith.extui %and3A : i1 to i32
      %cond3A_143 = arith.constant 0 : i32
      %cond3A_144 = arith.cmpi ne, %convert_element_type3A_142, %cond3A_143 : i32
      scf.if %cond3A_144 {
        %sub3A_218 = arith.subi %scan3A_107, %scan3A_106 : i32
        %add3A_219 = arith.constant 512 : i32
        %add3A_220 = arith.addi %sub3A_218, %add3A_219 : i32
        %sub3A_221 = arith.constant 1 : i32
        %sub3A_222 = arith.subi %add3A_220, %sub3A_221 : i32
        %jit3A_223 = arith.constant 512 : i32
        %div3A = arith.divsi %sub3A_222, %jit3A_223 : i32
        %sign3A = arith.constant 0 : i32
        %sign3A_224 = arith.cmpi sgt, %sub3A_222, %sign3A : i32
        %sign3A_225 = arith.extui %sign3A_224 : i1 to i32
        %sign3A_226 = arith.constant 0 : i32
        %sign3A_227 = arith.cmpi slt, %sub3A_222, %sign3A_226 : i32
        %sign3A_228 = arith.extui %sign3A_227 : i1 to i32
        %sign3A_229 = arith.subi %sign3A_225, %sign3A_228 : i32
        %sign3A_230 = arith.constant 0 : i32
        %sign3A_231 = arith.cmpi sgt, %jit3A_223, %sign3A_230 : i32
        %sign3A_232 = arith.extui %sign3A_231 : i1 to i32
        %sign3A_233 = arith.constant 0 : i32
        %sign3A_234 = arith.cmpi slt, %jit3A_223, %sign3A_233 : i32
        %sign3A_235 = arith.extui %sign3A_234 : i1 to i32
        %sign3A_236 = arith.subi %sign3A_232, %sign3A_235 : i32
        %ne3A = arith.cmpi ne, %sign3A_229, %sign3A_236 : i32
        %rem3A = arith.remsi %sub3A_222, %jit3A_223 : i32
        %ne3A_237 = arith.constant 0 : i32
        %ne3A_238 = arith.cmpi ne, %rem3A, %ne3A_237 : i32
        %and3A_239 = arith.andi %ne3A, %ne3A_238 : i1
        %sub3A_240 = arith.constant 1 : i32
        %sub3A_241 = arith.subi %div3A, %sub3A_240 : i32
        %select_n3A_242 = arith.select %and3A_239, %sub3A_241, %div3A : i32
        %while3A = arith.constant 0 : i32
        %while3A_243 = arith.constant 0 : i32
        %while3A_244 = arith.subi %select_n3A_242, %while3A_243 : i32
        %while3A_245 = arith.addi %while3A_243, %while3A_244 : i32
        %while3A_246 = arith.constant 1 : i32
        %while3A_247 = arith.divsi %while3A_244, %while3A_246 : i32
        %while3A_248 = arith.muli %while3A_247, %while3A_246 : i32
        %while3A_249 = arith.addi %while3A_243, %while3A_248 : i32
        %while3A_250 = arith.constant 1 : i32
        scf.for %while3A_264 = %while3A_243 to %while3A_249 step %while3A_250  : i32 {
          %mul3A_265 = arith.constant 512 : i32
          %mul3A_266 = arith.muli %while3A_264, %mul3A_265 : i32
          %add3A_267 = arith.addi %scan3A_106, %mul3A_266 : i32
          %scan3A_268 = arith.constant 0 : i32
          %scan3A_269 = arith.constant 0 : i32
          %scan3A_270 = arith.constant 32 : i32
          %scan3A_271 = arith.addi %scan3A_269, %scan3A_270 : i32
          %scan3A_272 = arith.constant 1 : i32
          scf.for %scan3A_276 = %scan3A_269 to %scan3A_271 step %scan3A_272  : i32 {
            %mul3A_277 = arith.constant 16 : i32
            %mul3A_278 = arith.muli %mul3A_277, %scan3A_276 : i32
            %get3A_279 = arith.index_cast %mul3A_278 : i32 to index
            %get3A_280 = tpu.vector_load %arg12[%get3A_279] {strides = array<i32>} : memref<512xi32, #tpu.memory_space<vmem>>, vector<16xi32>,
            %add3A_281 = vector.broadcast %add3A_267 : i32 to vector<16xi32>
            %add3A_282 = arith.addi %get3A_280, %add3A_281 : vector<16xi32>
            %min3A = arith.constant 100095 : i32
            %min3A_283 = vector.broadcast %min3A : i32 to vector<16xi32>
            %min3A_284 = arith.minsi %add3A_282, %min3A_283 : vector<16xi32>
            %mul3A_285 = arith.constant 16 : i32
            %mul3A_286 = arith.muli %mul3A_285, %scan3A_276 : i32
            %swap3A = arith.index_cast %mul3A_286 : i32 to index
            %swap3A_287 = tpu.vector_load %arg13[%swap3A] {strides = array<i32>} : memref<512xi32, #tpu.memory_space<vmem>>, vector<16xi32>,
            tpu.vector_store %arg13[%swap3A], %min3A_284 {strides = array<i32>} : memref<512xi32, #tpu.memory_space<vmem>>, vector<16xi32>,
          }
          %scan3A_273 = arith.constant 32 : i32
          %mul3A_274 = arith.constant 512 : i32
          %mul3A_275 = arith.muli %while3A_264, %mul3A_274 : i32
          "tpu.region"() ({
            %run_scoped3A = tpu.sem_alloc : memref<!tpu.dma_semaphore, #tpu.memory_space<semaphore_mem>>
            %dma_start3A_276 = tpu.memref_slice %arg11[%mul3A_275] : memref<14336xf32, #tpu.memory_space<vmem>> -> memref<512xf32, #tpu.memory_space<vmem>>
            %dma_start3A_277 = arith.constant 0 : i32
            %dma_start3A_278 = tpu.memref_slice %arg15[%dma_start3A_277] : memref<100096xf32, #tpu.memory_space<vmem_shared>> -> memref<100096xf32, #tpu.memory_space<vmem_shared>>
            tpu.enqueue_indirect_dma source(%dma_start3A_276 : memref<512xf32, #tpu.memory_space<vmem>>) target(%dma_start3A_278 : memref<100096xf32, #tpu.memory_space<vmem_shared>>) offsets(%arg13 : memref<512xi32, #tpu.memory_space<vmem>>) semaphore(%run_scoped3A : memref<!tpu.dma_semaphore, #tpu.memory_space<semaphore_mem>>) {add = true}
            %dma_wait3A_279 = tpu.memref_slice %arg11[%mul3A_275] : memref<14336xf32, #tpu.memory_space<vmem>> -> memref<512xf32, #tpu.memory_space<vmem>>
            %dma_wait3A_280 = arith.constant 0 : i32
            %dma_wait3A_281 = tpu.memref_slice %arg15[%dma_wait3A_280] : memref<100096xf32, #tpu.memory_space<vmem_shared>> -> memref<100096xf32, #tpu.memory_space<vmem_shared>>
            tpu.wait_indirect_dma semaphore(%run_scoped3A : memref<!tpu.dma_semaphore, #tpu.memory_space<semaphore_mem>>) src(%dma_wait3A_279 : memref<512xf32, #tpu.memory_space<vmem>>) dst(%dma_wait3A_281 : memref<100096xf32, #tpu.memory_space<vmem_shared>>)
            tpu.yield
          }) : () -> ()
        }
        %while3A_251 = arith.constant 1 : i32
        scf.for %while3A_264 = %while3A_249 to %while3A_245 step %while3A_251  : i32 {
          %mul3A_265 = arith.constant 512 : i32
          %mul3A_266 = arith.muli %while3A_264, %mul3A_265 : i32
          %add3A_267 = arith.addi %scan3A_106, %mul3A_266 : i32
          %scan3A_268 = arith.constant 0 : i32
          %scan3A_269 = arith.constant 0 : i32
          %scan3A_270 = arith.constant 32 : i32
          %scan3A_271 = arith.addi %scan3A_269, %scan3A_270 : i32
          %scan3A_272 = arith.constant 1 : i32
          scf.for %scan3A_276 = %scan3A_269 to %scan3A_271 step %scan3A_272  : i32 {
            %mul3A_277 = arith.constant 16 : i32
            %mul3A_278 = arith.muli %mul3A_277, %scan3A_276 : i32
            %get3A_279 = arith.index_cast %mul3A_278 : i32 to index
            %get3A_280 = tpu.vector_load %arg12[%get3A_279] {strides = array<i32>} : memref<512xi32, #tpu.memory_space<vmem>>, vector<16xi32>,
            %add3A_281 = vector.broadcast %add3A_267 : i32 to vector<16xi32>
            %add3A_282 = arith.addi %get3A_280, %add3A_281 : vector<16xi32>
            %min3A = arith.constant 100095 : i32
            %min3A_283 = vector.broadcast %min3A : i32 to vector<16xi32>
            %min3A_284 = arith.minsi %add3A_282, %min3A_283 : vector<16xi32>
            %mul3A_285 = arith.constant 16 : i32
            %mul3A_286 = arith.muli %mul3A_285, %scan3A_276 : i32
            %swap3A = arith.index_cast %mul3A_286 : i32 to index
            %swap3A_287 = tpu.vector_load %arg13[%swap3A] {strides = array<i32>} : memref<512xi32, #tpu.memory_space<vmem>>, vector<16xi32>,
            tpu.vector_store %arg13[%swap3A], %min3A_284 {strides = array<i32>} : memref<512xi32, #tpu.memory_space<vmem>>, vector<16xi32>,
          }
          %scan3A_273 = arith.constant 32 : i32
          %mul3A_274 = arith.constant 512 : i32
          %mul3A_275 = arith.muli %while3A_264, %mul3A_274 : i32
          "tpu.region"() ({
            %run_scoped3A = tpu.sem_alloc : memref<!tpu.dma_semaphore, #tpu.memory_space<semaphore_mem>>
            %dma_start3A_276 = tpu.memref_slice %arg11[%mul3A_275] : memref<14336xf32, #tpu.memory_space<vmem>> -> memref<512xf32, #tpu.memory_space<vmem>>
            %dma_start3A_277 = arith.constant 0 : i32
            %dma_start3A_278 = tpu.memref_slice %arg15[%dma_start3A_277] : memref<100096xf32, #tpu.memory_space<vmem_shared>> -> memref<100096xf32, #tpu.memory_space<vmem_shared>>
            tpu.enqueue_indirect_dma source(%dma_start3A_276 : memref<512xf32, #tpu.memory_space<vmem>>) target(%dma_start3A_278 : memref<100096xf32, #tpu.memory_space<vmem_shared>>) offsets(%arg13 : memref<512xi32, #tpu.memory_space<vmem>>) semaphore(%run_scoped3A : memref<!tpu.dma_semaphore, #tpu.memory_space<semaphore_mem>>) {add = true}
            %dma_wait3A_279 = tpu.memref_slice %arg11[%mul3A_275] : memref<14336xf32, #tpu.memory_space<vmem>> -> memref<512xf32, #tpu.memory_space<vmem>>
            %dma_wait3A_280 = arith.constant 0 : i32
            %dma_wait3A_281 = tpu.memref_slice %arg15[%dma_wait3A_280] : memref<100096xf32, #tpu.memory_space<vmem_shared>> -> memref<100096xf32, #tpu.memory_space<vmem_shared>>
            tpu.wait_indirect_dma semaphore(%run_scoped3A : memref<!tpu.dma_semaphore, #tpu.memory_space<semaphore_mem>>) src(%dma_wait3A_279 : memref<512xf32, #tpu.memory_space<vmem>>) dst(%dma_wait3A_281 : memref<100096xf32, #tpu.memory_space<vmem_shared>>)
            tpu.yield
          }) : () -> ()
        }
        %mul3A_252 = arith.constant 32 : i32
        %mul3A_253 = arith.muli %select_n3A_242, %mul3A_252 : i32
        %while3A_254 = arith.constant 0 : i32
        %while3A_255 = arith.constant 0 : i32
        %while3A_256 = arith.subi %mul3A_253, %while3A_255 : i32
        %while3A_257 = arith.addi %while3A_255, %while3A_256 : i32
        %while3A_258 = arith.constant 1 : i32
        %while3A_259 = arith.divsi %while3A_256, %while3A_258 : i32
        %while3A_260 = arith.muli %while3A_259, %while3A_258 : i32
        %while3A_261 = arith.addi %while3A_255, %while3A_260 : i32
        %while3A_262 = arith.constant 1 : i32
        scf.for %while3A_264 = %while3A_255 to %while3A_261 step %while3A_262  : i32 {
          %mul3A_265 = arith.constant 16 : i32
          %mul3A_266 = arith.muli %mul3A_265, %while3A_264 : i32
          %swap3A = arith.index_cast %mul3A_266 : i32 to index
          %swap3A_267 = tpu.vector_load %arg11[%swap3A] {strides = array<i32>} : memref<14336xf32, #tpu.memory_space<vmem>>, vector<16xf32>,
          tpu.vector_store %arg11[%swap3A], %broadcast_in_dim3A_3 {strides = array<i32>} : memref<14336xf32, #tpu.memory_space<vmem>>, vector<16xf32>,
        }
        %while3A_263 = arith.constant 1 : i32
        scf.for %while3A_264 = %while3A_261 to %while3A_257 step %while3A_263  : i32 {
          %mul3A_265 = arith.constant 16 : i32
          %mul3A_266 = arith.muli %mul3A_265, %while3A_264 : i32
          %swap3A = arith.index_cast %mul3A_266 : i32 to index
          %swap3A_267 = tpu.vector_load %arg11[%swap3A] {strides = array<i32>} : memref<14336xf32, #tpu.memory_space<vmem>>, vector<16xf32>,
          tpu.vector_store %arg11[%swap3A], %broadcast_in_dim3A_3 {strides = array<i32>} : memref<14336xf32, #tpu.memory_space<vmem>>, vector<16xf32>,
        }
      } else {
      }
      %select_n3A = arith.select %or3A, %squeeze3A, %scan3A_106 : i32
      %sub3A_145 = arith.subi %add3A_135, %select_n3A : i32
      %le3A = arith.constant 14336 : i32
      %le3A_146 = arith.cmpi sle, %sub3A_145, %le3A : i32
      %convert_element_type3A_147 = arith.extui %le3A_146 : i1 to i32
      %cond3A_148 = arith.constant 0 : i32
      %cond3A_149 = arith.cmpi ne, %convert_element_type3A_147, %cond3A_148 : i32
      scf.if %cond3A_149 {
        %add3A_218 = arith.constant 1 : i32
        %add3A_219 = vector.broadcast %add3A_218 : i32 to vector<16xi32>
        %add3A_220 = arith.addi %iota3A, %add3A_219 : vector<16xi32>
        %min3A = arith.constant 15 : i32
        %min3A_221 = vector.broadcast %min3A : i32 to vector<16xi32>
        %min3A_222 = arith.minsi %add3A_220, %min3A_221 : vector<16xi32>
        %parallel_loop3A = arith.constant 0 : i32
        %parallel_loop3A_223 = arith.constant 125 : i32
        %parallel_loop3A_224 = arith.constant 1 : i32
        scf.for %parallel_loop3A_225 = %parallel_loop3A to %parallel_loop3A_223 step %parallel_loop3A_224  : i32 {
          %parallel_loop3A_226 = arith.constant 16 : i32
          %parallel_loop3A_227 = arith.muli %parallel_loop3A_225, %parallel_loop3A_226 : i32
          %parallel_loop3A_228 = arith.index_cast %parallel_loop3A_227 : i32 to index
          %parallel_loop3A_229 = tpu.vector_load %arg9[%parallel_loop3A_228] {strides = array<i32>} : memref<2016xi32, #tpu.memory_space<vmem>>, vector<16xi32>,
          %parallel_loop3A_230 = arith.constant 0 : i32
          %parallel_loop3A_231 = vector.broadcast %parallel_loop3A_230 : i32 to vector<16xi32>
          %parallel_loop3A_232 = arith.cmpi slt, %min3A_222, %parallel_loop3A_231 : vector<16xi32>
          %parallel_loop3A_233 = arith.constant 16 : i32
          %parallel_loop3A_234 = vector.broadcast %parallel_loop3A_233 : i32 to vector<16xi32>
          %parallel_loop3A_235 = arith.addi %min3A_222, %parallel_loop3A_234 : vector<16xi32>
          %parallel_loop3A_236 = arith.select %parallel_loop3A_232, %parallel_loop3A_235, %min3A_222 : vector<16xi1>, vector<16xi32>
          %parallel_loop3A_237 = vector.shape_cast %parallel_loop3A_236 : vector<16xi32> to vector<16x1xi32>
          %parallel_loop3A_238 = vector.shape_cast %parallel_loop3A_237 : vector<16x1xi32> to vector<16xi32>
          %parallel_loop3A_239 = tpu.dynamic_gather %parallel_loop3A_229[%parallel_loop3A_238] in [0] : vector<16xi32>, vector<16xi32> -> vector<16xi32>
          %parallel_loop3A_240 = arith.constant 16 : i32
          %parallel_loop3A_241 = arith.muli %parallel_loop3A_225, %parallel_loop3A_240 : i32
          %parallel_loop3A_242 = arith.index_cast %parallel_loop3A_241 : i32 to index
          %parallel_loop3A_243 = tpu.vector_load %arg7[%parallel_loop3A_242] {strides = array<i32>} : memref<2000xi32, #tpu.memory_space<vmem>>, vector<16xi32>,
          %parallel_loop3A_244 = tpu.vector_load_idx %arg6[%parallel_loop3A_243] : memref<100000xf32, #tpu.memory_space<vmem>>[vector<16xi32>], vector<16xf32>,
          %parallel_loop3A_245 = arith.constant true
          %parallel_loop3A_246 = vector.broadcast %parallel_loop3A_245 : i1 to vector<16xi1>
          %parallel_loop3A_247 = tpu.scan <sum>, %parallel_loop3A_244 masked %parallel_loop3A_246 : vector<16xf32>, vector<16xi1> -> vector<16xf32>
          %parallel_loop3A_248 = arith.cmpi ne, %parallel_loop3A_229, %parallel_loop3A_239 : vector<16xi32>
          %parallel_loop3A_249 = arith.ori %parallel_loop3A_248, %eq3A_2 : vector<16xi1>
          %parallel_loop3A_250 = arith.constant dense<true> : vector<16xi1>
          %parallel_loop3A_251 = arith.xori %eq3A_2, %parallel_loop3A_250 : vector<16xi1>
          %parallel_loop3A_252 = arith.andi %parallel_loop3A_248, %parallel_loop3A_251 : vector<16xi1>
          %parallel_loop3A_253 = vector.broadcast %select_n3A : i32 to vector<16xi32>
          %parallel_loop3A_254 = arith.subi %parallel_loop3A_229, %parallel_loop3A_253 : vector<16xi32>
          tpu.vector_store_idx %arg11[%parallel_loop3A_254], %parallel_loop3A_247 masked %parallel_loop3A_249 {add = true} : memref<14336xf32, #tpu.memory_space<vmem>>[vector<16xi32>], vector<16xf32>, vector<16xi1>
          %parallel_loop3A_255 = vector.broadcast %select_n3A : i32 to vector<16xi32>
          %parallel_loop3A_256 = arith.subi %parallel_loop3A_239, %parallel_loop3A_255 : vector<16xi32>
          %parallel_loop3A_257 = arith.constant 0.000000e+00 : f32
          %parallel_loop3A_258 = vector.broadcast %parallel_loop3A_257 : f32 to vector<16xf32>
          %parallel_loop3A_259 = arith.subf %parallel_loop3A_258, %parallel_loop3A_247 : vector<16xf32>
          tpu.vector_store_idx %arg11[%parallel_loop3A_256], %parallel_loop3A_259 masked %parallel_loop3A_252 {add = true} : memref<14336xf32, #tpu.memory_space<vmem>>[vector<16xi32>], vector<16xf32>, vector<16xi1>
        } {sc.loop_unroll_factor = 8 : i64, sc.parallel_access}
      } else {
      }
      %not3A = arith.constant true
      %not3A_150 = arith.xori %le3A_146, %not3A : i1
      %convert_element_type3A_151 = arith.extui %not3A_150 : i1 to i32
      %cond3A_152 = arith.constant 0 : i32
      %cond3A_153 = arith.cmpi ne, %convert_element_type3A_151, %cond3A_152 : i32
      scf.if %cond3A_153 {
        %scan3A_218 = arith.constant 0 : i32
        %scan3A_219 = arith.constant 0 : i32
        %scan3A_220 = arith.constant 32 : i32
        %scan3A_221 = arith.addi %scan3A_219, %scan3A_220 : i32
        %scan3A_222 = arith.constant 1 : i32
        scf.for %scan3A_253 = %scan3A_219 to %scan3A_221 step %scan3A_222  : i32 {
          %mul3A_254 = arith.constant 16 : i32
          %mul3A_255 = arith.muli %scan3A_253, %mul3A_254 : i32
          %add3A_256 = arith.constant 0 : i32
          %add3A_257 = arith.addi %add3A_256, %mul3A_255 : i32
          %get3A_258 = arith.index_cast %add3A_257 : i32 to index
          %get3A_259 = tpu.vector_load %arg9[%get3A_258] {strides = array<i32>} : memref<2016xi32, #tpu.memory_space<vmem>>, vector<16xi32>,
          %mul3A_260 = arith.constant 16 : i32
          %mul3A_261 = arith.muli %scan3A_253, %mul3A_260 : i32
          %swap3A_262 = arith.index_cast %mul3A_261 : i32 to index
          %swap3A_263 = tpu.vector_load %arg13[%swap3A_262] {strides = array<i32>} : memref<512xi32, #tpu.memory_space<vmem>>, vector<16xi32>,
          tpu.vector_store %arg13[%swap3A_262], %get3A_259 {strides = array<i32>} : memref<512xi32, #tpu.memory_space<vmem>>, vector<16xi32>,
          %get3A_264 = arith.index_cast %add3A_257 : i32 to index
          %get3A_265 = tpu.vector_load %arg7[%get3A_264] {strides = array<i32>} : memref<2000xi32, #tpu.memory_space<vmem>>, vector<16xi32>,
          %gather3A = tpu.vector_load_idx %arg6[%get3A_265] : memref<100000xf32, #tpu.memory_space<vmem>>[vector<16xi32>], vector<16xf32>,
          %mul3A_266 = arith.constant 16 : i32
          %mul3A_267 = arith.muli %scan3A_253, %mul3A_266 : i32
          %swap3A_268 = arith.index_cast %mul3A_267 : i32 to index
          %swap3A_269 = tpu.vector_load %arg14[%swap3A_268] {strides = array<i32>} : memref<512xf32, #tpu.memory_space<vmem>>, vector<16xf32>,
          tpu.vector_store %arg14[%swap3A_268], %gather3A {strides = array<i32>} : memref<512xf32, #tpu.memory_space<vmem>>, vector<16xf32>,
        }
        %scan3A_223 = arith.constant 32 : i32
        "tpu.region"() ({
          %run_scoped3A = tpu.sem_alloc : memref<!tpu.dma_semaphore, #tpu.memory_space<semaphore_mem>>
          %dma_start3A_253 = arith.constant 0 : i32
          %dma_start3A_254 = tpu.memref_slice %arg15[%dma_start3A_253] : memref<100096xf32, #tpu.memory_space<vmem_shared>> -> memref<100096xf32, #tpu.memory_space<vmem_shared>>
          tpu.enqueue_indirect_dma source(%arg14 : memref<512xf32, #tpu.memory_space<vmem>>) target(%dma_start3A_254 : memref<100096xf32, #tpu.memory_space<vmem_shared>>) offsets(%arg13 : memref<512xi32, #tpu.memory_space<vmem>>) semaphore(%run_scoped3A : memref<!tpu.dma_semaphore, #tpu.memory_space<semaphore_mem>>) {add = true}
          %dma_wait3A_255 = arith.constant 0 : i32
          %dma_wait3A_256 = tpu.memref_slice %arg15[%dma_wait3A_255] : memref<100096xf32, #tpu.memory_space<vmem_shared>> -> memref<100096xf32, #tpu.memory_space<vmem_shared>>
          tpu.wait_indirect_dma semaphore(%run_scoped3A : memref<!tpu.dma_semaphore, #tpu.memory_space<semaphore_mem>>) src(%arg14 : memref<512xf32, #tpu.memory_space<vmem>>) dst(%dma_wait3A_256 : memref<100096xf32, #tpu.memory_space<vmem_shared>>)
          tpu.yield
        }) : () -> ()
        %scan3A_224 = arith.constant 0 : i32
        %scan3A_225 = arith.constant 0 : i32
        %scan3A_226 = arith.constant 32 : i32
        %scan3A_227 = arith.addi %scan3A_225, %scan3A_226 : i32
        %scan3A_228 = arith.constant 1 : i32
        scf.for %scan3A_253 = %scan3A_225 to %scan3A_227 step %scan3A_228  : i32 {
          %mul3A_254 = arith.constant 16 : i32
          %mul3A_255 = arith.muli %scan3A_253, %mul3A_254 : i32
          %add3A_256 = arith.constant 512 : i32
          %add3A_257 = arith.addi %add3A_256, %mul3A_255 : i32
          %get3A_258 = arith.index_cast %add3A_257 : i32 to index
          %get3A_259 = tpu.vector_load %arg9[%get3A_258] {strides = array<i32>} : memref<2016xi32, #tpu.memory_space<vmem>>, vector<16xi32>,
          %mul3A_260 = arith.constant 16 : i32
          %mul3A_261 = arith.muli %scan3A_253, %mul3A_260 : i32
          %swap3A_262 = arith.index_cast %mul3A_261 : i32 to index
          %swap3A_263 = tpu.vector_load %arg13[%swap3A_262] {strides = array<i32>} : memref<512xi32, #tpu.memory_space<vmem>>, vector<16xi32>,
          tpu.vector_store %arg13[%swap3A_262], %get3A_259 {strides = array<i32>} : memref<512xi32, #tpu.memory_space<vmem>>, vector<16xi32>,
          %get3A_264 = arith.index_cast %add3A_257 : i32 to index
          %get3A_265 = tpu.vector_load %arg7[%get3A_264] {strides = array<i32>} : memref<2000xi32, #tpu.memory_space<vmem>>, vector<16xi32>,
          %gather3A = tpu.vector_load_idx %arg6[%get3A_265] : memref<100000xf32, #tpu.memory_space<vmem>>[vector<16xi32>], vector<16xf32>,
          %mul3A_266 = arith.constant 16 : i32
          %mul3A_267 = arith.muli %scan3A_253, %mul3A_266 : i32
          %swap3A_268 = arith.index_cast %mul3A_267 : i32 to index
          %swap3A_269 = tpu.vector_load %arg14[%swap3A_268] {strides = array<i32>} : memref<512xf32, #tpu.memory_space<vmem>>, vector<16xf32>,
          tpu.vector_store %arg14[%swap3A_268], %gather3A {strides = array<i32>} : memref<512xf32, #tpu.memory_space<vmem>>, vector<16xf32>,
        }
        %scan3A_229 = arith.constant 32 : i32
        "tpu.region"() ({
          %run_scoped3A = tpu.sem_alloc : memref<!tpu.dma_semaphore, #tpu.memory_space<semaphore_mem>>
          %dma_start3A_253 = arith.constant 0 : i32
          %dma_start3A_254 = tpu.memref_slice %arg15[%dma_start3A_253] : memref<100096xf32, #tpu.memory_space<vmem_shared>> -> memref<100096xf32, #tpu.memory_space<vmem_shared>>
          tpu.enqueue_indirect_dma source(%arg14 : memref<512xf32, #tpu.memory_space<vmem>>) target(%dma_start3A_254 : memref<100096xf32, #tpu.memory_space<vmem_shared>>) offsets(%arg13 : memref<512xi32, #tpu.memory_space<vmem>>) semaphore(%run_scoped3A : memref<!tpu.dma_semaphore, #tpu.memory_space<semaphore_mem>>) {add = true}
          %dma_wait3A_255 = arith.constant 0 : i32
          %dma_wait3A_256 = tpu.memref_slice %arg15[%dma_wait3A_255] : memref<100096xf32, #tpu.memory_space<vmem_shared>> -> memref<100096xf32, #tpu.memory_space<vmem_shared>>
          tpu.wait_indirect_dma semaphore(%run_scoped3A : memref<!tpu.dma_semaphore, #tpu.memory_space<semaphore_mem>>) src(%arg14 : memref<512xf32, #tpu.memory_space<vmem>>) dst(%dma_wait3A_256 : memref<100096xf32, #tpu.memory_space<vmem_shared>>)
          tpu.yield
        }) : () -> ()
        %scan3A_230 = arith.constant 0 : i32
        %scan3A_231 = arith.constant 0 : i32
        %scan3A_232 = arith.constant 32 : i32
        %scan3A_233 = arith.addi %scan3A_231, %scan3A_232 : i32
        %scan3A_234 = arith.constant 1 : i32
        scf.for %scan3A_253 = %scan3A_231 to %scan3A_233 step %scan3A_234  : i32 {
          %mul3A_254 = arith.constant 16 : i32
          %mul3A_255 = arith.muli %scan3A_253, %mul3A_254 : i32
          %add3A_256 = arith.constant 1024 : i32
          %add3A_257 = arith.addi %add3A_256, %mul3A_255 : i32
          %get3A_258 = arith.index_cast %add3A_257 : i32 to index
          %get3A_259 = tpu.vector_load %arg9[%get3A_258] {strides = array<i32>} : memref<2016xi32, #tpu.memory_space<vmem>>, vector<16xi32>,
          %mul3A_260 = arith.constant 16 : i32
          %mul3A_261 = arith.muli %scan3A_253, %mul3A_260 : i32
          %swap3A_262 = arith.index_cast %mul3A_261 : i32 to index
          %swap3A_263 = tpu.vector_load %arg13[%swap3A_262] {strides = array<i32>} : memref<512xi32, #tpu.memory_space<vmem>>, vector<16xi32>,
          tpu.vector_store %arg13[%swap3A_262], %get3A_259 {strides = array<i32>} : memref<512xi32, #tpu.memory_space<vmem>>, vector<16xi32>,
          %get3A_264 = arith.index_cast %add3A_257 : i32 to index
          %get3A_265 = tpu.vector_load %arg7[%get3A_264] {strides = array<i32>} : memref<2000xi32, #tpu.memory_space<vmem>>, vector<16xi32>,
          %gather3A = tpu.vector_load_idx %arg6[%get3A_265] : memref<100000xf32, #tpu.memory_space<vmem>>[vector<16xi32>], vector<16xf32>,
          %mul3A_266 = arith.constant 16 : i32
          %mul3A_267 = arith.muli %scan3A_253, %mul3A_266 : i32
          %swap3A_268 = arith.index_cast %mul3A_267 : i32 to index
          %swap3A_269 = tpu.vector_load %arg14[%swap3A_268] {strides = array<i32>} : memref<512xf32, #tpu.memory_space<vmem>>, vector<16xf32>,
          tpu.vector_store %arg14[%swap3A_268], %gather3A {strides = array<i32>} : memref<512xf32, #tpu.memory_space<vmem>>, vector<16xf32>,
        }
        %scan3A_235 = arith.constant 32 : i32
        "tpu.region"() ({
          %run_scoped3A = tpu.sem_alloc : memref<!tpu.dma_semaphore, #tpu.memory_space<semaphore_mem>>
          %dma_start3A_253 = arith.constant 0 : i32
          %dma_start3A_254 = tpu.memref_slice %arg15[%dma_start3A_253] : memref<100096xf32, #tpu.memory_space<vmem_shared>> -> memref<100096xf32, #tpu.memory_space<vmem_shared>>
          tpu.enqueue_indirect_dma source(%arg14 : memref<512xf32, #tpu.memory_space<vmem>>) target(%dma_start3A_254 : memref<100096xf32, #tpu.memory_space<vmem_shared>>) offsets(%arg13 : memref<512xi32, #tpu.memory_space<vmem>>) semaphore(%run_scoped3A : memref<!tpu.dma_semaphore, #tpu.memory_space<semaphore_mem>>) {add = true}
          %dma_wait3A_255 = arith.constant 0 : i32
          %dma_wait3A_256 = tpu.memref_slice %arg15[%dma_wait3A_255] : memref<100096xf32, #tpu.memory_space<vmem_shared>> -> memref<100096xf32, #tpu.memory_space<vmem_shared>>
          tpu.wait_indirect_dma semaphore(%run_scoped3A : memref<!tpu.dma_semaphore, #tpu.memory_space<semaphore_mem>>) src(%arg14 : memref<512xf32, #tpu.memory_space<vmem>>) dst(%dma_wait3A_256 : memref<100096xf32, #tpu.memory_space<vmem_shared>>)
          tpu.yield
        }) : () -> ()
        %scan3A_236 = arith.constant 0 : i32
        %scan3A_237 = arith.constant 0 : i32
        %scan3A_238 = arith.constant 29 : i32
        %scan3A_239 = arith.addi %scan3A_237, %scan3A_238 : i32
        %scan3A_240 = arith.constant 1 : i32
        scf.for %scan3A_253 = %scan3A_237 to %scan3A_239 step %scan3A_240  : i32 {
          %mul3A_254 = arith.constant 16 : i32
          %mul3A_255 = arith.muli %scan3A_253, %mul3A_254 : i32
          %add3A_256 = arith.constant 1536 : i32
          %add3A_257 = arith.addi %add3A_256, %mul3A_255 : i32
          %get3A_258 = arith.index_cast %add3A_257 : i32 to index
          %get3A_259 = tpu.vector_load %arg9[%get3A_258] {strides = array<i32>} : memref<2016xi32, #tpu.memory_space<vmem>>, vector<16xi32>,
          %mul3A_260 = arith.constant 16 : i32
          %mul3A_261 = arith.muli %scan3A_253, %mul3A_260 : i32
          %swap3A_262 = arith.index_cast %mul3A_261 : i32 to index
          %swap3A_263 = tpu.vector_load %arg13[%swap3A_262] {strides = array<i32>} : memref<512xi32, #tpu.memory_space<vmem>>, vector<16xi32>,
          tpu.vector_store %arg13[%swap3A_262], %get3A_259 {strides = array<i32>} : memref<512xi32, #tpu.memory_space<vmem>>, vector<16xi32>,
          %get3A_264 = arith.index_cast %add3A_257 : i32 to index
          %get3A_265 = tpu.vector_load %arg7[%get3A_264] {strides = array<i32>} : memref<2000xi32, #tpu.memory_space<vmem>>, vector<16xi32>,
          %gather3A = tpu.vector_load_idx %arg6[%get3A_265] : memref<100000xf32, #tpu.memory_space<vmem>>[vector<16xi32>], vector<16xf32>,
          %mul3A_266 = arith.constant 16 : i32
          %mul3A_267 = arith.muli %scan3A_253, %mul3A_266 : i32
          %swap3A_268 = arith.index_cast %mul3A_267 : i32 to index
          %swap3A_269 = tpu.vector_load %arg14[%swap3A_268] {strides = array<i32>} : memref<512xf32, #tpu.memory_space<vmem>>, vector<16xf32>,
          tpu.vector_store %arg14[%swap3A_268], %gather3A {strides = array<i32>} : memref<512xf32, #tpu.memory_space<vmem>>, vector<16xf32>,
        }
        %scan3A_241 = arith.constant 29 : i32
        %swap3A = arith.constant 464 : index
        %swap3A_242 = tpu.vector_load %arg13[%swap3A] {strides = array<i32>} : memref<512xi32, #tpu.memory_space<vmem>>, vector<16xi32>,
        tpu.vector_store %arg13[%swap3A], %broadcast_in_dim3A_5 {strides = array<i32>} : memref<512xi32, #tpu.memory_space<vmem>>, vector<16xi32>,
        %swap3A_243 = arith.constant 464 : index
        %swap3A_244 = tpu.vector_load %arg14[%swap3A_243] {strides = array<i32>} : memref<512xf32, #tpu.memory_space<vmem>>, vector<16xf32>,
        tpu.vector_store %arg14[%swap3A_243], %broadcast_in_dim3A_3 {strides = array<i32>} : memref<512xf32, #tpu.memory_space<vmem>>, vector<16xf32>,
        %swap3A_245 = arith.constant 480 : index
        %swap3A_246 = tpu.vector_load %arg13[%swap3A_245] {strides = array<i32>} : memref<512xi32, #tpu.memory_space<vmem>>, vector<16xi32>,
        tpu.vector_store %arg13[%swap3A_245], %broadcast_in_dim3A_5 {strides = array<i32>} : memref<512xi32, #tpu.memory_space<vmem>>, vector<16xi32>,
        %swap3A_247 = arith.constant 480 : index
        %swap3A_248 = tpu.vector_load %arg14[%swap3A_247] {strides = array<i32>} : memref<512xf32, #tpu.memory_space<vmem>>, vector<16xf32>,
        tpu.vector_store %arg14[%swap3A_247], %broadcast_in_dim3A_3 {strides = array<i32>} : memref<512xf32, #tpu.memory_space<vmem>>, vector<16xf32>,
        %swap3A_249 = arith.constant 496 : index
        %swap3A_250 = tpu.vector_load %arg13[%swap3A_249] {strides = array<i32>} : memref<512xi32, #tpu.memory_space<vmem>>, vector<16xi32>,
        tpu.vector_store %arg13[%swap3A_249], %broadcast_in_dim3A_5 {strides = array<i32>} : memref<512xi32, #tpu.memory_space<vmem>>, vector<16xi32>,
        %swap3A_251 = arith.constant 496 : index
        %swap3A_252 = tpu.vector_load %arg14[%swap3A_251] {strides = array<i32>} : memref<512xf32, #tpu.memory_space<vmem>>, vector<16xf32>,
        tpu.vector_store %arg14[%swap3A_251], %broadcast_in_dim3A_3 {strides = array<i32>} : memref<512xf32, #tpu.memory_space<vmem>>, vector<16xf32>,
        "tpu.region"() ({
          %run_scoped3A = tpu.sem_alloc : memref<!tpu.dma_semaphore, #tpu.memory_space<semaphore_mem>>
          %dma_start3A_253 = arith.constant 0 : i32
          %dma_start3A_254 = tpu.memref_slice %arg15[%dma_start3A_253] : memref<100096xf32, #tpu.memory_space<vmem_shared>> -> memref<100096xf32, #tpu.memory_space<vmem_shared>>
          tpu.enqueue_indirect_dma source(%arg14 : memref<512xf32, #tpu.memory_space<vmem>>) target(%dma_start3A_254 : memref<100096xf32, #tpu.memory_space<vmem_shared>>) offsets(%arg13 : memref<512xi32, #tpu.memory_space<vmem>>) semaphore(%run_scoped3A : memref<!tpu.dma_semaphore, #tpu.memory_space<semaphore_mem>>) {add = true}
          %dma_wait3A_255 = arith.constant 0 : i32
          %dma_wait3A_256 = tpu.memref_slice %arg15[%dma_wait3A_255] : memref<100096xf32, #tpu.memory_space<vmem_shared>> -> memref<100096xf32, #tpu.memory_space<vmem_shared>>
          tpu.wait_indirect_dma semaphore(%run_scoped3A : memref<!tpu.dma_semaphore, #tpu.memory_space<semaphore_mem>>) src(%arg14 : memref<512xf32, #tpu.memory_space<vmem>>) dst(%dma_wait3A_256 : memref<100096xf32, #tpu.memory_space<vmem_shared>>)
          tpu.yield
        }) : () -> ()
      } else {
      }
      %jit3A = arith.constant -1 : i32
      %select_n3A_154 = arith.select %le3A_146, %select_n3A, %jit3A : i32
      %jit3A_155 = arith.constant 0 : i32
      %select_n3A_156 = arith.select %le3A_146, %add3A_135, %jit3A_155 : i32
      %mul3A_157 = arith.constant 2 : i32
      %mul3A_158 = arith.muli %mul3A_157, %scan3A_105 : i32
      %add3A_159 = arith.constant 1 : i32
      %add3A_160 = arith.addi %mul3A_158, %add3A_159 : i32
      %dma_wait3A_161 = arith.constant 0 : i32
      %dma_wait3A_162 = tpu.memref_slice %arg3[%dma_wait3A_161] : memref<6400000xi32, #tpu.memory_space<hbm>> -> memref<2000xi32, #tpu.memory_space<hbm>>
      %dma_wait3A_163 = arith.constant 0 : i32
      %dma_wait3A_164 = tpu.memref_slice %arg3[%dma_wait3A_163] : memref<6400000xi32, #tpu.memory_space<hbm>> -> memref<2000xi32, #tpu.memory_space<hbm>>
      tpu.wait_dma2 semaphore(%arg17 : memref<!tpu.dma_semaphore, #tpu.memory_space<semaphore_mem>>) src(%dma_wait3A_164 : memref<2000xi32, #tpu.memory_space<hbm>>) dst(%arg8 : memref<2000xi32, #tpu.memory_space<vmem>>)
      %dma_wait3A_165 = arith.constant 0 : i32
      %dma_wait3A_166 = tpu.memref_slice %arg10[%dma_wait3A_165] : memref<2016xi32, #tpu.memory_space<vmem>> -> memref<2000xi32, #tpu.memory_space<vmem>>
      %dma_wait3A_167 = arith.constant 0 : i32
      %dma_wait3A_168 = tpu.memref_slice %arg4[%dma_wait3A_167] : memref<6400000xi32, #tpu.memory_space<hbm>> -> memref<2000xi32, #tpu.memory_space<hbm>>
      %dma_wait3A_169 = arith.constant 0 : i32
      %dma_wait3A_170 = tpu.memref_slice %arg10[%dma_wait3A_169] : memref<2016xi32, #tpu.memory_space<vmem>> -> memref<2000xi32, #tpu.memory_space<vmem>>
      %dma_wait3A_171 = arith.constant 0 : i32
      %dma_wait3A_172 = tpu.memref_slice %arg4[%dma_wait3A_171] : memref<6400000xi32, #tpu.memory_space<hbm>> -> memref<2000xi32, #tpu.memory_space<hbm>>
      tpu.wait_dma2 semaphore(%arg19 : memref<!tpu.dma_semaphore, #tpu.memory_space<semaphore_mem>>) src(%dma_wait3A_172 : memref<2000xi32, #tpu.memory_space<hbm>>) dst(%dma_wait3A_170 : memref<2000xi32, #tpu.memory_space<vmem>>)
      %add3A_173 = arith.constant 1 : i32
      %add3A_174 = arith.addi %add3A_160, %add3A_173 : i32
      %lt3A_175 = arith.constant 100 : i32
      %lt3A_176 = arith.cmpi slt, %add3A_174, %lt3A_175 : i32
      %convert_element_type3A_177 = arith.extui %lt3A_176 : i1 to i32
      %cond3A_178 = arith.constant 0 : i32
      %cond3A_179 = arith.cmpi ne, %convert_element_type3A_177, %cond3A_178 : i32
      scf.if %cond3A_179 {
        %add3A_218 = arith.constant 1 : i32
        %add3A_219 = arith.addi %add3A_160, %add3A_218 : i32
        %mul3A_220 = arith.constant 200000 : i32
        %mul3A_221 = arith.muli %add3A, %mul3A_220 : i32
        %mul3A_222 = arith.constant 2000 : i32
        %mul3A_223 = arith.muli %add3A_219, %mul3A_222 : i32
        %add3A_224 = arith.addi %mul3A_221, %mul3A_223 : i32
        %dma_start3A_225 = tpu.memref_slice %arg3[%add3A_224] : memref<6400000xi32, #tpu.memory_space<hbm>> -> memref<2000xi32, #tpu.memory_space<hbm>>
        %dma_start3A_226 = tpu.memref_slice %arg3[%add3A_224] : memref<6400000xi32, #tpu.memory_space<hbm>> -> memref<2000xi32, #tpu.memory_space<hbm>>
        tpu.enqueue_dma source(%dma_start3A_226 : memref<2000xi32, #tpu.memory_space<hbm>>) target(%arg7 : memref<2000xi32, #tpu.memory_space<vmem>>) target_semaphore(%arg16 : memref<!tpu.dma_semaphore, #tpu.memory_space<semaphore_mem>>)
        %dma_start3A_227 = arith.constant 0 : i32
        %dma_start3A_228 = tpu.memref_slice %arg9[%dma_start3A_227] : memref<2016xi32, #tpu.memory_space<vmem>> -> memref<2000xi32, #tpu.memory_space<vmem>>
        %dma_start3A_229 = tpu.memref_slice %arg4[%add3A_224] : memref<6400000xi32, #tpu.memory_space<hbm>> -> memref<2000xi32, #tpu.memory_space<hbm>>
        %dma_start3A_230 = arith.constant 0 : i32
        %dma_start3A_231 = tpu.memref_slice %arg9[%dma_start3A_230] : memref<2016xi32, #tpu.memory_space<vmem>> -> memref<2000xi32, #tpu.memory_space<vmem>>
        %dma_start3A_232 = tpu.memref_slice %arg4[%add3A_224] : memref<6400000xi32, #tpu.memory_space<hbm>> -> memref<2000xi32, #tpu.memory_space<hbm>>
        tpu.enqueue_dma source(%dma_start3A_232 : memref<2000xi32, #tpu.memory_space<hbm>>) target(%dma_start3A_231 : memref<2000xi32, #tpu.memory_space<vmem>>) target_semaphore(%arg18 : memref<!tpu.dma_semaphore, #tpu.memory_space<semaphore_mem>>)
      } else {
      }
      %get3A_180 = arith.constant 0 : index
      %get3A_181 = tpu.vector_load %arg10[%get3A_180] {strides = array<i32>} : memref<2016xi32, #tpu.memory_space<vmem>>, vector<16xi32>,
      %slice3A_182 = vector.extract_strided_slice %get3A_181 {offsets = [0], sizes = [1], strides = [1]} : vector<16xi32> to vector<1xi32>
      %squeeze3A_183 = vector.extract %slice3A_182[0] : i32 from vector<1xi32>
      %get3A_184 = arith.constant 1984 : index
      %get3A_185 = tpu.vector_load %arg10[%get3A_184] {strides = array<i32>} : memref<2016xi32, #tpu.memory_space<vmem>>, vector<16xi32>,
      %slice3A_186 = vector.extract_strided_slice %get3A_185 {offsets = [15], sizes = [1], strides = [1]} : vector<16xi32> to vector<1xi32>
      %squeeze3A_187 = vector.extract %slice3A_186[0] : i32 from vector<1xi32>
      %add3A_188 = arith.constant 1 : i32
      %add3A_189 = arith.addi %squeeze3A_187, %add3A_188 : i32
      %lt3A_190 = arith.constant 0 : i32
      %lt3A_191 = arith.cmpi slt, %select_n3A_154, %lt3A_190 : i32
      %sub3A_192 = arith.subi %add3A_189, %select_n3A_154 : i32
      %gt3A_193 = arith.constant 14336 : i32
      %gt3A_194 = arith.cmpi sgt, %sub3A_192, %gt3A_193 : i32
      %or3A_195 = arith.ori %lt3A_191, %gt3A_194 : i1
      %ge3A_196 = arith.constant 0 : i32
      %ge3A_197 = arith.cmpi sge, %select_n3A_154, %ge3A_196 : i32
      %and3A_198 = arith.andi %or3A_195, %ge3A_197 : i1
      %convert_element_type3A_199 = arith.extui %and3A_198 : i1 to i32
      %cond3A_200 = arith.constant 0 : i32
      %cond3A_201 = arith.cmpi ne, %convert_element_type3A_199, %cond3A_200 : i32
      scf.if %cond3A_201 {
        %sub3A_218 = arith.subi %select_n3A_156, %select_n3A_154 : i32
        %add3A_219 = arith.constant 512 : i32
        %add3A_220 = arith.addi %sub3A_218, %add3A_219 : i32
        %sub3A_221 = arith.constant 1 : i32
        %sub3A_222 = arith.subi %add3A_220, %sub3A_221 : i32
        %jit3A_223 = arith.constant 512 : i32
        %div3A = arith.divsi %sub3A_222, %jit3A_223 : i32
        %sign3A = arith.constant 0 : i32
        %sign3A_224 = arith.cmpi sgt, %sub3A_222, %sign3A : i32
        %sign3A_225 = arith.extui %sign3A_224 : i1 to i32
        %sign3A_226 = arith.constant 0 : i32
        %sign3A_227 = arith.cmpi slt, %sub3A_222, %sign3A_226 : i32
        %sign3A_228 = arith.extui %sign3A_227 : i1 to i32
        %sign3A_229 = arith.subi %sign3A_225, %sign3A_228 : i32
        %sign3A_230 = arith.constant 0 : i32
        %sign3A_231 = arith.cmpi sgt, %jit3A_223, %sign3A_230 : i32
        %sign3A_232 = arith.extui %sign3A_231 : i1 to i32
        %sign3A_233 = arith.constant 0 : i32
        %sign3A_234 = arith.cmpi slt, %jit3A_223, %sign3A_233 : i32
        %sign3A_235 = arith.extui %sign3A_234 : i1 to i32
        %sign3A_236 = arith.subi %sign3A_232, %sign3A_235 : i32
        %ne3A = arith.cmpi ne, %sign3A_229, %sign3A_236 : i32
        %rem3A = arith.remsi %sub3A_222, %jit3A_223 : i32
        %ne3A_237 = arith.constant 0 : i32
        %ne3A_238 = arith.cmpi ne, %rem3A, %ne3A_237 : i32
        %and3A_239 = arith.andi %ne3A, %ne3A_238 : i1
        %sub3A_240 = arith.constant 1 : i32
        %sub3A_241 = arith.subi %div3A, %sub3A_240 : i32
        %select_n3A_242 = arith.select %and3A_239, %sub3A_241, %div3A : i32
        %while3A = arith.constant 0 : i32
        %while3A_243 = arith.constant 0 : i32
        %while3A_244 = arith.subi %select_n3A_242, %while3A_243 : i32
        %while3A_245 = arith.addi %while3A_243, %while3A_244 : i32
        %while3A_246 = arith.constant 1 : i32
        %while3A_247 = arith.divsi %while3A_244, %while3A_246 : i32
        %while3A_248 = arith.muli %while3A_247, %while3A_246 : i32
        %while3A_249 = arith.addi %while3A_243, %while3A_248 : i32
        %while3A_250 = arith.constant 1 : i32
        scf.for %while3A_264 = %while3A_243 to %while3A_249 step %while3A_250  : i32 {
          %mul3A_265 = arith.constant 512 : i32
          %mul3A_266 = arith.muli %while3A_264, %mul3A_265 : i32
          %add3A_267 = arith.addi %select_n3A_154, %mul3A_266 : i32
          %scan3A_268 = arith.constant 0 : i32
          %scan3A_269 = arith.constant 0 : i32
          %scan3A_270 = arith.constant 32 : i32
          %scan3A_271 = arith.addi %scan3A_269, %scan3A_270 : i32
          %scan3A_272 = arith.constant 1 : i32
          scf.for %scan3A_276 = %scan3A_269 to %scan3A_271 step %scan3A_272  : i32 {
            %mul3A_277 = arith.constant 16 : i32
            %mul3A_278 = arith.muli %mul3A_277, %scan3A_276 : i32
            %get3A_279 = arith.index_cast %mul3A_278 : i32 to index
            %get3A_280 = tpu.vector_load %arg12[%get3A_279] {strides = array<i32>} : memref<512xi32, #tpu.memory_space<vmem>>, vector<16xi32>,
            %add3A_281 = vector.broadcast %add3A_267 : i32 to vector<16xi32>
            %add3A_282 = arith.addi %get3A_280, %add3A_281 : vector<16xi32>
            %min3A = arith.constant 100095 : i32
            %min3A_283 = vector.broadcast %min3A : i32 to vector<16xi32>
            %min3A_284 = arith.minsi %add3A_282, %min3A_283 : vector<16xi32>
            %mul3A_285 = arith.constant 16 : i32
            %mul3A_286 = arith.muli %mul3A_285, %scan3A_276 : i32
            %swap3A = arith.index_cast %mul3A_286 : i32 to index
            %swap3A_287 = tpu.vector_load %arg13[%swap3A] {strides = array<i32>} : memref<512xi32, #tpu.memory_space<vmem>>, vector<16xi32>,
            tpu.vector_store %arg13[%swap3A], %min3A_284 {strides = array<i32>} : memref<512xi32, #tpu.memory_space<vmem>>, vector<16xi32>,
          }
          %scan3A_273 = arith.constant 32 : i32
          %mul3A_274 = arith.constant 512 : i32
          %mul3A_275 = arith.muli %while3A_264, %mul3A_274 : i32
          "tpu.region"() ({
            %run_scoped3A = tpu.sem_alloc : memref<!tpu.dma_semaphore, #tpu.memory_space<semaphore_mem>>
            %dma_start3A_276 = tpu.memref_slice %arg11[%mul3A_275] : memref<14336xf32, #tpu.memory_space<vmem>> -> memref<512xf32, #tpu.memory_space<vmem>>
            %dma_start3A_277 = arith.constant 0 : i32
            %dma_start3A_278 = tpu.memref_slice %arg15[%dma_start3A_277] : memref<100096xf32, #tpu.memory_space<vmem_shared>> -> memref<100096xf32, #tpu.memory_space<vmem_shared>>
            tpu.enqueue_indirect_dma source(%dma_start3A_276 : memref<512xf32, #tpu.memory_space<vmem>>) target(%dma_start3A_278 : memref<100096xf32, #tpu.memory_space<vmem_shared>>) offsets(%arg13 : memref<512xi32, #tpu.memory_space<vmem>>) semaphore(%run_scoped3A : memref<!tpu.dma_semaphore, #tpu.memory_space<semaphore_mem>>) {add = true}
            %dma_wait3A_279 = tpu.memref_slice %arg11[%mul3A_275] : memref<14336xf32, #tpu.memory_space<vmem>> -> memref<512xf32, #tpu.memory_space<vmem>>
            %dma_wait3A_280 = arith.constant 0 : i32
            %dma_wait3A_281 = tpu.memref_slice %arg15[%dma_wait3A_280] : memref<100096xf32, #tpu.memory_space<vmem_shared>> -> memref<100096xf32, #tpu.memory_space<vmem_shared>>
            tpu.wait_indirect_dma semaphore(%run_scoped3A : memref<!tpu.dma_semaphore, #tpu.memory_space<semaphore_mem>>) src(%dma_wait3A_279 : memref<512xf32, #tpu.memory_space<vmem>>) dst(%dma_wait3A_281 : memref<100096xf32, #tpu.memory_space<vmem_shared>>)
            tpu.yield
          }) : () -> ()
        }
        %while3A_251 = arith.constant 1 : i32
        scf.for %while3A_264 = %while3A_249 to %while3A_245 step %while3A_251  : i32 {
          %mul3A_265 = arith.constant 512 : i32
          %mul3A_266 = arith.muli %while3A_264, %mul3A_265 : i32
          %add3A_267 = arith.addi %select_n3A_154, %mul3A_266 : i32
          %scan3A_268 = arith.constant 0 : i32
          %scan3A_269 = arith.constant 0 : i32
          %scan3A_270 = arith.constant 32 : i32
          %scan3A_271 = arith.addi %scan3A_269, %scan3A_270 : i32
          %scan3A_272 = arith.constant 1 : i32
          scf.for %scan3A_276 = %scan3A_269 to %scan3A_271 step %scan3A_272  : i32 {
            %mul3A_277 = arith.constant 16 : i32
            %mul3A_278 = arith.muli %mul3A_277, %scan3A_276 : i32
            %get3A_279 = arith.index_cast %mul3A_278 : i32 to index
            %get3A_280 = tpu.vector_load %arg12[%get3A_279] {strides = array<i32>} : memref<512xi32, #tpu.memory_space<vmem>>, vector<16xi32>,
            %add3A_281 = vector.broadcast %add3A_267 : i32 to vector<16xi32>
            %add3A_282 = arith.addi %get3A_280, %add3A_281 : vector<16xi32>
            %min3A = arith.constant 100095 : i32
            %min3A_283 = vector.broadcast %min3A : i32 to vector<16xi32>
            %min3A_284 = arith.minsi %add3A_282, %min3A_283 : vector<16xi32>
            %mul3A_285 = arith.constant 16 : i32
            %mul3A_286 = arith.muli %mul3A_285, %scan3A_276 : i32
            %swap3A = arith.index_cast %mul3A_286 : i32 to index
            %swap3A_287 = tpu.vector_load %arg13[%swap3A] {strides = array<i32>} : memref<512xi32, #tpu.memory_space<vmem>>, vector<16xi32>,
            tpu.vector_store %arg13[%swap3A], %min3A_284 {strides = array<i32>} : memref<512xi32, #tpu.memory_space<vmem>>, vector<16xi32>,
          }
          %scan3A_273 = arith.constant 32 : i32
          %mul3A_274 = arith.constant 512 : i32
          %mul3A_275 = arith.muli %while3A_264, %mul3A_274 : i32
          "tpu.region"() ({
            %run_scoped3A = tpu.sem_alloc : memref<!tpu.dma_semaphore, #tpu.memory_space<semaphore_mem>>
            %dma_start3A_276 = tpu.memref_slice %arg11[%mul3A_275] : memref<14336xf32, #tpu.memory_space<vmem>> -> memref<512xf32, #tpu.memory_space<vmem>>
            %dma_start3A_277 = arith.constant 0 : i32
            %dma_start3A_278 = tpu.memref_slice %arg15[%dma_start3A_277] : memref<100096xf32, #tpu.memory_space<vmem_shared>> -> memref<100096xf32, #tpu.memory_space<vmem_shared>>
            tpu.enqueue_indirect_dma source(%dma_start3A_276 : memref<512xf32, #tpu.memory_space<vmem>>) target(%dma_start3A_278 : memref<100096xf32, #tpu.memory_space<vmem_shared>>) offsets(%arg13 : memref<512xi32, #tpu.memory_space<vmem>>) semaphore(%run_scoped3A : memref<!tpu.dma_semaphore, #tpu.memory_space<semaphore_mem>>) {add = true}
            %dma_wait3A_279 = tpu.memref_slice %arg11[%mul3A_275] : memref<14336xf32, #tpu.memory_space<vmem>> -> memref<512xf32, #tpu.memory_space<vmem>>
            %dma_wait3A_280 = arith.constant 0 : i32
            %dma_wait3A_281 = tpu.memref_slice %arg15[%dma_wait3A_280] : memref<100096xf32, #tpu.memory_space<vmem_shared>> -> memref<100096xf32, #tpu.memory_space<vmem_shared>>
            tpu.wait_indirect_dma semaphore(%run_scoped3A : memref<!tpu.dma_semaphore, #tpu.memory_space<semaphore_mem>>) src(%dma_wait3A_279 : memref<512xf32, #tpu.memory_space<vmem>>) dst(%dma_wait3A_281 : memref<100096xf32, #tpu.memory_space<vmem_shared>>)
            tpu.yield
          }) : () -> ()
        }
        %mul3A_252 = arith.constant 32 : i32
        %mul3A_253 = arith.muli %select_n3A_242, %mul3A_252 : i32
        %while3A_254 = arith.constant 0 : i32
        %while3A_255 = arith.constant 0 : i32
        %while3A_256 = arith.subi %mul3A_253, %while3A_255 : i32
        %while3A_257 = arith.addi %while3A_255, %while3A_256 : i32
        %while3A_258 = arith.constant 1 : i32
        %while3A_259 = arith.divsi %while3A_256, %while3A_258 : i32
        %while3A_260 = arith.muli %while3A_259, %while3A_258 : i32
        %while3A_261 = arith.addi %while3A_255, %while3A_260 : i32
        %while3A_262 = arith.constant 1 : i32
        scf.for %while3A_264 = %while3A_255 to %while3A_261 step %while3A_262  : i32 {
          %mul3A_265 = arith.constant 16 : i32
          %mul3A_266 = arith.muli %mul3A_265, %while3A_264 : i32
          %swap3A = arith.index_cast %mul3A_266 : i32 to index
          %swap3A_267 = tpu.vector_load %arg11[%swap3A] {strides = array<i32>} : memref<14336xf32, #tpu.memory_space<vmem>>, vector<16xf32>,
          tpu.vector_store %arg11[%swap3A], %broadcast_in_dim3A_3 {strides = array<i32>} : memref<14336xf32, #tpu.memory_space<vmem>>, vector<16xf32>,
        }
        %while3A_263 = arith.constant 1 : i32
        scf.for %while3A_264 = %while3A_261 to %while3A_257 step %while3A_263  : i32 {
          %mul3A_265 = arith.constant 16 : i32
          %mul3A_266 = arith.muli %mul3A_265, %while3A_264 : i32
          %swap3A = arith.index_cast %mul3A_266 : i32 to index
          %swap3A_267 = tpu.vector_load %arg11[%swap3A] {strides = array<i32>} : memref<14336xf32, #tpu.memory_space<vmem>>, vector<16xf32>,
          tpu.vector_store %arg11[%swap3A], %broadcast_in_dim3A_3 {strides = array<i32>} : memref<14336xf32, #tpu.memory_space<vmem>>, vector<16xf32>,
        }
      } else {
      }
      %select_n3A_202 = arith.select %or3A_195, %squeeze3A_183, %select_n3A_154 : i32
      %sub3A_203 = arith.subi %add3A_189, %select_n3A_202 : i32
      %le3A_204 = arith.constant 14336 : i32
      %le3A_205 = arith.cmpi sle, %sub3A_203, %le3A_204 : i32
      %convert_element_type3A_206 = arith.extui %le3A_205 : i1 to i32
      %cond3A_207 = arith.constant 0 : i32
      %cond3A_208 = arith.cmpi ne, %convert_element_type3A_206, %cond3A_207 : i32
      scf.if %cond3A_208 {
        %add3A_218 = arith.constant 1 : i32
        %add3A_219 = vector.broadcast %add3A_218 : i32 to vector<16xi32>
        %add3A_220 = arith.addi %iota3A, %add3A_219 : vector<16xi32>
        %min3A = arith.constant 15 : i32
        %min3A_221 = vector.broadcast %min3A : i32 to vector<16xi32>
        %min3A_222 = arith.minsi %add3A_220, %min3A_221 : vector<16xi32>
        %parallel_loop3A = arith.constant 0 : i32
        %parallel_loop3A_223 = arith.constant 125 : i32
        %parallel_loop3A_224 = arith.constant 1 : i32
        scf.for %parallel_loop3A_225 = %parallel_loop3A to %parallel_loop3A_223 step %parallel_loop3A_224  : i32 {
          %parallel_loop3A_226 = arith.constant 16 : i32
          %parallel_loop3A_227 = arith.muli %parallel_loop3A_225, %parallel_loop3A_226 : i32
          %parallel_loop3A_228 = arith.index_cast %parallel_loop3A_227 : i32 to index
          %parallel_loop3A_229 = tpu.vector_load %arg10[%parallel_loop3A_228] {strides = array<i32>} : memref<2016xi32, #tpu.memory_space<vmem>>, vector<16xi32>,
          %parallel_loop3A_230 = arith.constant 0 : i32
          %parallel_loop3A_231 = vector.broadcast %parallel_loop3A_230 : i32 to vector<16xi32>
          %parallel_loop3A_232 = arith.cmpi slt, %min3A_222, %parallel_loop3A_231 : vector<16xi32>
          %parallel_loop3A_233 = arith.constant 16 : i32
          %parallel_loop3A_234 = vector.broadcast %parallel_loop3A_233 : i32 to vector<16xi32>
          %parallel_loop3A_235 = arith.addi %min3A_222, %parallel_loop3A_234 : vector<16xi32>
          %parallel_loop3A_236 = arith.select %parallel_loop3A_232, %parallel_loop3A_235, %min3A_222 : vector<16xi1>, vector<16xi32>
          %parallel_loop3A_237 = vector.shape_cast %parallel_loop3A_236 : vector<16xi32> to vector<16x1xi32>
          %parallel_loop3A_238 = vector.shape_cast %parallel_loop3A_237 : vector<16x1xi32> to vector<16xi32>
          %parallel_loop3A_239 = tpu.dynamic_gather %parallel_loop3A_229[%parallel_loop3A_238] in [0] : vector<16xi32>, vector<16xi32> -> vector<16xi32>
          %parallel_loop3A_240 = arith.constant 16 : i32
          %parallel_loop3A_241 = arith.muli %parallel_loop3A_225, %parallel_loop3A_240 : i32
          %parallel_loop3A_242 = arith.index_cast %parallel_loop3A_241 : i32 to index
          %parallel_loop3A_243 = tpu.vector_load %arg8[%parallel_loop3A_242] {strides = array<i32>} : memref<2000xi32, #tpu.memory_space<vmem>>, vector<16xi32>,
          %parallel_loop3A_244 = tpu.vector_load_idx %arg6[%parallel_loop3A_243] : memref<100000xf32, #tpu.memory_space<vmem>>[vector<16xi32>], vector<16xf32>,
          %parallel_loop3A_245 = arith.constant true
          %parallel_loop3A_246 = vector.broadcast %parallel_loop3A_245 : i1 to vector<16xi1>
          %parallel_loop3A_247 = tpu.scan <sum>, %parallel_loop3A_244 masked %parallel_loop3A_246 : vector<16xf32>, vector<16xi1> -> vector<16xf32>
          %parallel_loop3A_248 = arith.cmpi ne, %parallel_loop3A_229, %parallel_loop3A_239 : vector<16xi32>
          %parallel_loop3A_249 = arith.ori %parallel_loop3A_248, %eq3A_2 : vector<16xi1>
          %parallel_loop3A_250 = arith.constant dense<true> : vector<16xi1>
          %parallel_loop3A_251 = arith.xori %eq3A_2, %parallel_loop3A_250 : vector<16xi1>
          %parallel_loop3A_252 = arith.andi %parallel_loop3A_248, %parallel_loop3A_251 : vector<16xi1>
          %parallel_loop3A_253 = vector.broadcast %select_n3A_202 : i32 to vector<16xi32>
          %parallel_loop3A_254 = arith.subi %parallel_loop3A_229, %parallel_loop3A_253 : vector<16xi32>
          tpu.vector_store_idx %arg11[%parallel_loop3A_254], %parallel_loop3A_247 masked %parallel_loop3A_249 {add = true} : memref<14336xf32, #tpu.memory_space<vmem>>[vector<16xi32>], vector<16xf32>, vector<16xi1>
          %parallel_loop3A_255 = vector.broadcast %select_n3A_202 : i32 to vector<16xi32>
          %parallel_loop3A_256 = arith.subi %parallel_loop3A_239, %parallel_loop3A_255 : vector<16xi32>
          %parallel_loop3A_257 = arith.constant 0.000000e+00 : f32
          %parallel_loop3A_258 = vector.broadcast %parallel_loop3A_257 : f32 to vector<16xf32>
          %parallel_loop3A_259 = arith.subf %parallel_loop3A_258, %parallel_loop3A_247 : vector<16xf32>
          tpu.vector_store_idx %arg11[%parallel_loop3A_256], %parallel_loop3A_259 masked %parallel_loop3A_252 {add = true} : memref<14336xf32, #tpu.memory_space<vmem>>[vector<16xi32>], vector<16xf32>, vector<16xi1>
        } {sc.loop_unroll_factor = 8 : i64, sc.parallel_access}
      } else {
      }
      %not3A_209 = arith.constant true
      %not3A_210 = arith.xori %le3A_205, %not3A_209 : i1
      %convert_element_type3A_211 = arith.extui %not3A_210 : i1 to i32
      %cond3A_212 = arith.constant 0 : i32
      %cond3A_213 = arith.cmpi ne, %convert_element_type3A_211, %cond3A_212 : i32
      scf.if %cond3A_213 {
        %scan3A_218 = arith.constant 0 : i32
        %scan3A_219 = arith.constant 0 : i32
        %scan3A_220 = arith.constant 32 : i32
        %scan3A_221 = arith.addi %scan3A_219, %scan3A_220 : i32
        %scan3A_222 = arith.constant 1 : i32
        scf.for %scan3A_253 = %scan3A_219 to %scan3A_221 step %scan3A_222  : i32 {
          %mul3A_254 = arith.constant 16 : i32
          %mul3A_255 = arith.muli %scan3A_253, %mul3A_254 : i32
          %add3A_256 = arith.constant 0 : i32
          %add3A_257 = arith.addi %add3A_256, %mul3A_255 : i32
          %get3A_258 = arith.index_cast %add3A_257 : i32 to index
          %get3A_259 = tpu.vector_load %arg10[%get3A_258] {strides = array<i32>} : memref<2016xi32, #tpu.memory_space<vmem>>, vector<16xi32>,
          %mul3A_260 = arith.constant 16 : i32
          %mul3A_261 = arith.muli %scan3A_253, %mul3A_260 : i32
          %swap3A_262 = arith.index_cast %mul3A_261 : i32 to index
          %swap3A_263 = tpu.vector_load %arg13[%swap3A_262] {strides = array<i32>} : memref<512xi32, #tpu.memory_space<vmem>>, vector<16xi32>,
          tpu.vector_store %arg13[%swap3A_262], %get3A_259 {strides = array<i32>} : memref<512xi32, #tpu.memory_space<vmem>>, vector<16xi32>,
          %get3A_264 = arith.index_cast %add3A_257 : i32 to index
          %get3A_265 = tpu.vector_load %arg8[%get3A_264] {strides = array<i32>} : memref<2000xi32, #tpu.memory_space<vmem>>, vector<16xi32>,
          %gather3A = tpu.vector_load_idx %arg6[%get3A_265] : memref<100000xf32, #tpu.memory_space<vmem>>[vector<16xi32>], vector<16xf32>,
          %mul3A_266 = arith.constant 16 : i32
          %mul3A_267 = arith.muli %scan3A_253, %mul3A_266 : i32
          %swap3A_268 = arith.index_cast %mul3A_267 : i32 to index
          %swap3A_269 = tpu.vector_load %arg14[%swap3A_268] {strides = array<i32>} : memref<512xf32, #tpu.memory_space<vmem>>, vector<16xf32>,
          tpu.vector_store %arg14[%swap3A_268], %gather3A {strides = array<i32>} : memref<512xf32, #tpu.memory_space<vmem>>, vector<16xf32>,
        }
        %scan3A_223 = arith.constant 32 : i32
        "tpu.region"() ({
          %run_scoped3A = tpu.sem_alloc : memref<!tpu.dma_semaphore, #tpu.memory_space<semaphore_mem>>
          %dma_start3A_253 = arith.constant 0 : i32
          %dma_start3A_254 = tpu.memref_slice %arg15[%dma_start3A_253] : memref<100096xf32, #tpu.memory_space<vmem_shared>> -> memref<100096xf32, #tpu.memory_space<vmem_shared>>
          tpu.enqueue_indirect_dma source(%arg14 : memref<512xf32, #tpu.memory_space<vmem>>) target(%dma_start3A_254 : memref<100096xf32, #tpu.memory_space<vmem_shared>>) offsets(%arg13 : memref<512xi32, #tpu.memory_space<vmem>>) semaphore(%run_scoped3A : memref<!tpu.dma_semaphore, #tpu.memory_space<semaphore_mem>>) {add = true}
          %dma_wait3A_255 = arith.constant 0 : i32
          %dma_wait3A_256 = tpu.memref_slice %arg15[%dma_wait3A_255] : memref<100096xf32, #tpu.memory_space<vmem_shared>> -> memref<100096xf32, #tpu.memory_space<vmem_shared>>
          tpu.wait_indirect_dma semaphore(%run_scoped3A : memref<!tpu.dma_semaphore, #tpu.memory_space<semaphore_mem>>) src(%arg14 : memref<512xf32, #tpu.memory_space<vmem>>) dst(%dma_wait3A_256 : memref<100096xf32, #tpu.memory_space<vmem_shared>>)
          tpu.yield
        }) : () -> ()
        %scan3A_224 = arith.constant 0 : i32
        %scan3A_225 = arith.constant 0 : i32
        %scan3A_226 = arith.constant 32 : i32
        %scan3A_227 = arith.addi %scan3A_225, %scan3A_226 : i32
        %scan3A_228 = arith.constant 1 : i32
        scf.for %scan3A_253 = %scan3A_225 to %scan3A_227 step %scan3A_228  : i32 {
          %mul3A_254 = arith.constant 16 : i32
          %mul3A_255 = arith.muli %scan3A_253, %mul3A_254 : i32
          %add3A_256 = arith.constant 512 : i32
          %add3A_257 = arith.addi %add3A_256, %mul3A_255 : i32
          %get3A_258 = arith.index_cast %add3A_257 : i32 to index
          %get3A_259 = tpu.vector_load %arg10[%get3A_258] {strides = array<i32>} : memref<2016xi32, #tpu.memory_space<vmem>>, vector<16xi32>,
          %mul3A_260 = arith.constant 16 : i32
          %mul3A_261 = arith.muli %scan3A_253, %mul3A_260 : i32
          %swap3A_262 = arith.index_cast %mul3A_261 : i32 to index
          %swap3A_263 = tpu.vector_load %arg13[%swap3A_262] {strides = array<i32>} : memref<512xi32, #tpu.memory_space<vmem>>, vector<16xi32>,
          tpu.vector_store %arg13[%swap3A_262], %get3A_259 {strides = array<i32>} : memref<512xi32, #tpu.memory_space<vmem>>, vector<16xi32>,
          %get3A_264 = arith.index_cast %add3A_257 : i32 to index
          %get3A_265 = tpu.vector_load %arg8[%get3A_264] {strides = array<i32>} : memref<2000xi32, #tpu.memory_space<vmem>>, vector<16xi32>,
          %gather3A = tpu.vector_load_idx %arg6[%get3A_265] : memref<100000xf32, #tpu.memory_space<vmem>>[vector<16xi32>], vector<16xf32>,
          %mul3A_266 = arith.constant 16 : i32
          %mul3A_267 = arith.muli %scan3A_253, %mul3A_266 : i32
          %swap3A_268 = arith.index_cast %mul3A_267 : i32 to index
          %swap3A_269 = tpu.vector_load %arg14[%swap3A_268] {strides = array<i32>} : memref<512xf32, #tpu.memory_space<vmem>>, vector<16xf32>,
          tpu.vector_store %arg14[%swap3A_268], %gather3A {strides = array<i32>} : memref<512xf32, #tpu.memory_space<vmem>>, vector<16xf32>,
        }
        %scan3A_229 = arith.constant 32 : i32
        "tpu.region"() ({
          %run_scoped3A = tpu.sem_alloc : memref<!tpu.dma_semaphore, #tpu.memory_space<semaphore_mem>>
          %dma_start3A_253 = arith.constant 0 : i32
          %dma_start3A_254 = tpu.memref_slice %arg15[%dma_start3A_253] : memref<100096xf32, #tpu.memory_space<vmem_shared>> -> memref<100096xf32, #tpu.memory_space<vmem_shared>>
          tpu.enqueue_indirect_dma source(%arg14 : memref<512xf32, #tpu.memory_space<vmem>>) target(%dma_start3A_254 : memref<100096xf32, #tpu.memory_space<vmem_shared>>) offsets(%arg13 : memref<512xi32, #tpu.memory_space<vmem>>) semaphore(%run_scoped3A : memref<!tpu.dma_semaphore, #tpu.memory_space<semaphore_mem>>) {add = true}
          %dma_wait3A_255 = arith.constant 0 : i32
          %dma_wait3A_256 = tpu.memref_slice %arg15[%dma_wait3A_255] : memref<100096xf32, #tpu.memory_space<vmem_shared>> -> memref<100096xf32, #tpu.memory_space<vmem_shared>>
          tpu.wait_indirect_dma semaphore(%run_scoped3A : memref<!tpu.dma_semaphore, #tpu.memory_space<semaphore_mem>>) src(%arg14 : memref<512xf32, #tpu.memory_space<vmem>>) dst(%dma_wait3A_256 : memref<100096xf32, #tpu.memory_space<vmem_shared>>)
          tpu.yield
        }) : () -> ()
        %scan3A_230 = arith.constant 0 : i32
        %scan3A_231 = arith.constant 0 : i32
        %scan3A_232 = arith.constant 32 : i32
        %scan3A_233 = arith.addi %scan3A_231, %scan3A_232 : i32
        %scan3A_234 = arith.constant 1 : i32
        scf.for %scan3A_253 = %scan3A_231 to %scan3A_233 step %scan3A_234  : i32 {
          %mul3A_254 = arith.constant 16 : i32
          %mul3A_255 = arith.muli %scan3A_253, %mul3A_254 : i32
          %add3A_256 = arith.constant 1024 : i32
          %add3A_257 = arith.addi %add3A_256, %mul3A_255 : i32
          %get3A_258 = arith.index_cast %add3A_257 : i32 to index
          %get3A_259 = tpu.vector_load %arg10[%get3A_258] {strides = array<i32>} : memref<2016xi32, #tpu.memory_space<vmem>>, vector<16xi32>,
          %mul3A_260 = arith.constant 16 : i32
          %mul3A_261 = arith.muli %scan3A_253, %mul3A_260 : i32
          %swap3A_262 = arith.index_cast %mul3A_261 : i32 to index
          %swap3A_263 = tpu.vector_load %arg13[%swap3A_262] {strides = array<i32>} : memref<512xi32, #tpu.memory_space<vmem>>, vector<16xi32>,
          tpu.vector_store %arg13[%swap3A_262], %get3A_259 {strides = array<i32>} : memref<512xi32, #tpu.memory_space<vmem>>, vector<16xi32>,
          %get3A_264 = arith.index_cast %add3A_257 : i32 to index
          %get3A_265 = tpu.vector_load %arg8[%get3A_264] {strides = array<i32>} : memref<2000xi32, #tpu.memory_space<vmem>>, vector<16xi32>,
          %gather3A = tpu.vector_load_idx %arg6[%get3A_265] : memref<100000xf32, #tpu.memory_space<vmem>>[vector<16xi32>], vector<16xf32>,
          %mul3A_266 = arith.constant 16 : i32
          %mul3A_267 = arith.muli %scan3A_253, %mul3A_266 : i32
          %swap3A_268 = arith.index_cast %mul3A_267 : i32 to index
          %swap3A_269 = tpu.vector_load %arg14[%swap3A_268] {strides = array<i32>} : memref<512xf32, #tpu.memory_space<vmem>>, vector<16xf32>,
          tpu.vector_store %arg14[%swap3A_268], %gather3A {strides = array<i32>} : memref<512xf32, #tpu.memory_space<vmem>>, vector<16xf32>,
        }
        %scan3A_235 = arith.constant 32 : i32
        "tpu.region"() ({
          %run_scoped3A = tpu.sem_alloc : memref<!tpu.dma_semaphore, #tpu.memory_space<semaphore_mem>>
          %dma_start3A_253 = arith.constant 0 : i32
          %dma_start3A_254 = tpu.memref_slice %arg15[%dma_start3A_253] : memref<100096xf32, #tpu.memory_space<vmem_shared>> -> memref<100096xf32, #tpu.memory_space<vmem_shared>>
          tpu.enqueue_indirect_dma source(%arg14 : memref<512xf32, #tpu.memory_space<vmem>>) target(%dma_start3A_254 : memref<100096xf32, #tpu.memory_space<vmem_shared>>) offsets(%arg13 : memref<512xi32, #tpu.memory_space<vmem>>) semaphore(%run_scoped3A : memref<!tpu.dma_semaphore, #tpu.memory_space<semaphore_mem>>) {add = true}
          %dma_wait3A_255 = arith.constant 0 : i32
          %dma_wait3A_256 = tpu.memref_slice %arg15[%dma_wait3A_255] : memref<100096xf32, #tpu.memory_space<vmem_shared>> -> memref<100096xf32, #tpu.memory_space<vmem_shared>>
          tpu.wait_indirect_dma semaphore(%run_scoped3A : memref<!tpu.dma_semaphore, #tpu.memory_space<semaphore_mem>>) src(%arg14 : memref<512xf32, #tpu.memory_space<vmem>>) dst(%dma_wait3A_256 : memref<100096xf32, #tpu.memory_space<vmem_shared>>)
          tpu.yield
        }) : () -> ()
        %scan3A_236 = arith.constant 0 : i32
        %scan3A_237 = arith.constant 0 : i32
        %scan3A_238 = arith.constant 29 : i32
        %scan3A_239 = arith.addi %scan3A_237, %scan3A_238 : i32
        %scan3A_240 = arith.constant 1 : i32
        scf.for %scan3A_253 = %scan3A_237 to %scan3A_239 step %scan3A_240  : i32 {
          %mul3A_254 = arith.constant 16 : i32
          %mul3A_255 = arith.muli %scan3A_253, %mul3A_254 : i32
          %add3A_256 = arith.constant 1536 : i32
          %add3A_257 = arith.addi %add3A_256, %mul3A_255 : i32
          %get3A_258 = arith.index_cast %add3A_257 : i32 to index
          %get3A_259 = tpu.vector_load %arg10[%get3A_258] {strides = array<i32>} : memref<2016xi32, #tpu.memory_space<vmem>>, vector<16xi32>,
          %mul3A_260 = arith.constant 16 : i32
          %mul3A_261 = arith.muli %scan3A_253, %mul3A_260 : i32
          %swap3A_262 = arith.index_cast %mul3A_261 : i32 to index
          %swap3A_263 = tpu.vector_load %arg13[%swap3A_262] {strides = array<i32>} : memref<512xi32, #tpu.memory_space<vmem>>, vector<16xi32>,
          tpu.vector_store %arg13[%swap3A_262], %get3A_259 {strides = array<i32>} : memref<512xi32, #tpu.memory_space<vmem>>, vector<16xi32>,
          %get3A_264 = arith.index_cast %add3A_257 : i32 to index
          %get3A_265 = tpu.vector_load %arg8[%get3A_264] {strides = array<i32>} : memref<2000xi32, #tpu.memory_space<vmem>>, vector<16xi32>,
          %gather3A = tpu.vector_load_idx %arg6[%get3A_265] : memref<100000xf32, #tpu.memory_space<vmem>>[vector<16xi32>], vector<16xf32>,
          %mul3A_266 = arith.constant 16 : i32
          %mul3A_267 = arith.muli %scan3A_253, %mul3A_266 : i32
          %swap3A_268 = arith.index_cast %mul3A_267 : i32 to index
          %swap3A_269 = tpu.vector_load %arg14[%swap3A_268] {strides = array<i32>} : memref<512xf32, #tpu.memory_space<vmem>>, vector<16xf32>,
          tpu.vector_store %arg14[%swap3A_268], %gather3A {strides = array<i32>} : memref<512xf32, #tpu.memory_space<vmem>>, vector<16xf32>,
        }
        %scan3A_241 = arith.constant 29 : i32
        %swap3A = arith.constant 464 : index
        %swap3A_242 = tpu.vector_load %arg13[%swap3A] {strides = array<i32>} : memref<512xi32, #tpu.memory_space<vmem>>, vector<16xi32>,
        tpu.vector_store %arg13[%swap3A], %broadcast_in_dim3A_5 {strides = array<i32>} : memref<512xi32, #tpu.memory_space<vmem>>, vector<16xi32>,
        %swap3A_243 = arith.constant 464 : index
        %swap3A_244 = tpu.vector_load %arg14[%swap3A_243] {strides = array<i32>} : memref<512xf32, #tpu.memory_space<vmem>>, vector<16xf32>,
        tpu.vector_store %arg14[%swap3A_243], %broadcast_in_dim3A_3 {strides = array<i32>} : memref<512xf32, #tpu.memory_space<vmem>>, vector<16xf32>,
        %swap3A_245 = arith.constant 480 : index
        %swap3A_246 = tpu.vector_load %arg13[%swap3A_245] {strides = array<i32>} : memref<512xi32, #tpu.memory_space<vmem>>, vector<16xi32>,
        tpu.vector_store %arg13[%swap3A_245], %broadcast_in_dim3A_5 {strides = array<i32>} : memref<512xi32, #tpu.memory_space<vmem>>, vector<16xi32>,
        %swap3A_247 = arith.constant 480 : index
        %swap3A_248 = tpu.vector_load %arg14[%swap3A_247] {strides = array<i32>} : memref<512xf32, #tpu.memory_space<vmem>>, vector<16xf32>,
        tpu.vector_store %arg14[%swap3A_247], %broadcast_in_dim3A_3 {strides = array<i32>} : memref<512xf32, #tpu.memory_space<vmem>>, vector<16xf32>,
        %swap3A_249 = arith.constant 496 : index
        %swap3A_250 = tpu.vector_load %arg13[%swap3A_249] {strides = array<i32>} : memref<512xi32, #tpu.memory_space<vmem>>, vector<16xi32>,
        tpu.vector_store %arg13[%swap3A_249], %broadcast_in_dim3A_5 {strides = array<i32>} : memref<512xi32, #tpu.memory_space<vmem>>, vector<16xi32>,
        %swap3A_251 = arith.constant 496 : index
        %swap3A_252 = tpu.vector_load %arg14[%swap3A_251] {strides = array<i32>} : memref<512xf32, #tpu.memory_space<vmem>>, vector<16xf32>,
        tpu.vector_store %arg14[%swap3A_251], %broadcast_in_dim3A_3 {strides = array<i32>} : memref<512xf32, #tpu.memory_space<vmem>>, vector<16xf32>,
        "tpu.region"() ({
          %run_scoped3A = tpu.sem_alloc : memref<!tpu.dma_semaphore, #tpu.memory_space<semaphore_mem>>
          %dma_start3A_253 = arith.constant 0 : i32
          %dma_start3A_254 = tpu.memref_slice %arg15[%dma_start3A_253] : memref<100096xf32, #tpu.memory_space<vmem_shared>> -> memref<100096xf32, #tpu.memory_space<vmem_shared>>
          tpu.enqueue_indirect_dma source(%arg14 : memref<512xf32, #tpu.memory_space<vmem>>) target(%dma_start3A_254 : memref<100096xf32, #tpu.memory_space<vmem_shared>>) offsets(%arg13 : memref<512xi32, #tpu.memory_space<vmem>>) semaphore(%run_scoped3A : memref<!tpu.dma_semaphore, #tpu.memory_space<semaphore_mem>>) {add = true}
          %dma_wait3A_255 = arith.constant 0 : i32
          %dma_wait3A_256 = tpu.memref_slice %arg15[%dma_wait3A_255] : memref<100096xf32, #tpu.memory_space<vmem_shared>> -> memref<100096xf32, #tpu.memory_space<vmem_shared>>
          tpu.wait_indirect_dma semaphore(%run_scoped3A : memref<!tpu.dma_semaphore, #tpu.memory_space<semaphore_mem>>) src(%arg14 : memref<512xf32, #tpu.memory_space<vmem>>) dst(%dma_wait3A_256 : memref<100096xf32, #tpu.memory_space<vmem_shared>>)
          tpu.yield
        }) : () -> ()
      } else {
      }
      %jit3A_214 = arith.constant -1 : i32
      %select_n3A_215 = arith.select %le3A_205, %select_n3A_202, %jit3A_214 : i32
      %jit3A_216 = arith.constant 0 : i32
      %select_n3A_217 = arith.select %le3A_205, %add3A_189, %jit3A_216 : i32
      scf.yield %select_n3A_215, %select_n3A_217 : i32, i32
    }
    %scan3A_94 = arith.constant 50 : i32
    %ge3A = arith.constant 0 : i32
    %ge3A_95 = arith.cmpi sge, %scan3A_93#0, %ge3A : i32
    %convert_element_type3A = arith.extui %ge3A_95 : i1 to i32
    %cond3A = arith.constant 0 : i32
    %cond3A_96 = arith.cmpi ne, %convert_element_type3A, %cond3A : i32
    scf.if %cond3A_96 {
      %sub3A_105 = arith.subi %scan3A_93#1, %scan3A_93#0 : i32
      %add3A_106 = arith.constant 512 : i32
      %add3A_107 = arith.addi %sub3A_105, %add3A_106 : i32
      %sub3A_108 = arith.constant 1 : i32
      %sub3A_109 = arith.subi %add3A_107, %sub3A_108 : i32
      %jit3A = arith.constant 512 : i32
      %div3A = arith.divsi %sub3A_109, %jit3A : i32
      %sign3A = arith.constant 0 : i32
      %sign3A_110 = arith.cmpi sgt, %sub3A_109, %sign3A : i32
      %sign3A_111 = arith.extui %sign3A_110 : i1 to i32
      %sign3A_112 = arith.constant 0 : i32
      %sign3A_113 = arith.cmpi slt, %sub3A_109, %sign3A_112 : i32
      %sign3A_114 = arith.extui %sign3A_113 : i1 to i32
      %sign3A_115 = arith.subi %sign3A_111, %sign3A_114 : i32
      %sign3A_116 = arith.constant 0 : i32
      %sign3A_117 = arith.cmpi sgt, %jit3A, %sign3A_116 : i32
      %sign3A_118 = arith.extui %sign3A_117 : i1 to i32
      %sign3A_119 = arith.constant 0 : i32
      %sign3A_120 = arith.cmpi slt, %jit3A, %sign3A_119 : i32
      %sign3A_121 = arith.extui %sign3A_120 : i1 to i32
      %sign3A_122 = arith.subi %sign3A_118, %sign3A_121 : i32
      %ne3A = arith.cmpi ne, %sign3A_115, %sign3A_122 : i32
      %rem3A = arith.remsi %sub3A_109, %jit3A : i32
      %ne3A_123 = arith.constant 0 : i32
      %ne3A_124 = arith.cmpi ne, %rem3A, %ne3A_123 : i32
      %and3A = arith.andi %ne3A, %ne3A_124 : i1
      %sub3A_125 = arith.constant 1 : i32
      %sub3A_126 = arith.subi %div3A, %sub3A_125 : i32
      %select_n3A = arith.select %and3A, %sub3A_126, %div3A : i32
      %while3A = arith.constant 0 : i32
      %while3A_127 = arith.constant 0 : i32
      %while3A_128 = arith.subi %select_n3A, %while3A_127 : i32
      %while3A_129 = arith.addi %while3A_127, %while3A_128 : i32
      %while3A_130 = arith.constant 1 : i32
      %while3A_131 = arith.divsi %while3A_128, %while3A_130 : i32
      %while3A_132 = arith.muli %while3A_131, %while3A_130 : i32
      %while3A_133 = arith.addi %while3A_127, %while3A_132 : i32
      %while3A_134 = arith.constant 1 : i32
      scf.for %while3A_148 = %while3A_127 to %while3A_133 step %while3A_134  : i32 {
        %mul3A_149 = arith.constant 512 : i32
        %mul3A_150 = arith.muli %while3A_148, %mul3A_149 : i32
        %add3A_151 = arith.addi %scan3A_93#0, %mul3A_150 : i32
        %scan3A_152 = arith.constant 0 : i32
        %scan3A_153 = arith.constant 0 : i32
        %scan3A_154 = arith.constant 32 : i32
        %scan3A_155 = arith.addi %scan3A_153, %scan3A_154 : i32
        %scan3A_156 = arith.constant 1 : i32
        scf.for %scan3A_160 = %scan3A_153 to %scan3A_155 step %scan3A_156  : i32 {
          %mul3A_161 = arith.constant 16 : i32
          %mul3A_162 = arith.muli %mul3A_161, %scan3A_160 : i32
          %get3A = arith.index_cast %mul3A_162 : i32 to index
          %get3A_163 = tpu.vector_load %arg12[%get3A] {strides = array<i32>} : memref<512xi32, #tpu.memory_space<vmem>>, vector<16xi32>,
          %add3A_164 = vector.broadcast %add3A_151 : i32 to vector<16xi32>
          %add3A_165 = arith.addi %get3A_163, %add3A_164 : vector<16xi32>
          %min3A = arith.constant 100095 : i32
          %min3A_166 = vector.broadcast %min3A : i32 to vector<16xi32>
          %min3A_167 = arith.minsi %add3A_165, %min3A_166 : vector<16xi32>
          %mul3A_168 = arith.constant 16 : i32
          %mul3A_169 = arith.muli %mul3A_168, %scan3A_160 : i32
          %swap3A = arith.index_cast %mul3A_169 : i32 to index
          %swap3A_170 = tpu.vector_load %arg13[%swap3A] {strides = array<i32>} : memref<512xi32, #tpu.memory_space<vmem>>, vector<16xi32>,
          tpu.vector_store %arg13[%swap3A], %min3A_167 {strides = array<i32>} : memref<512xi32, #tpu.memory_space<vmem>>, vector<16xi32>,
        }
        %scan3A_157 = arith.constant 32 : i32
        %mul3A_158 = arith.constant 512 : i32
        %mul3A_159 = arith.muli %while3A_148, %mul3A_158 : i32
        "tpu.region"() ({
          %run_scoped3A = tpu.sem_alloc : memref<!tpu.dma_semaphore, #tpu.memory_space<semaphore_mem>>
          %dma_start3A_160 = tpu.memref_slice %arg11[%mul3A_159] : memref<14336xf32, #tpu.memory_space<vmem>> -> memref<512xf32, #tpu.memory_space<vmem>>
          %dma_start3A_161 = arith.constant 0 : i32
          %dma_start3A_162 = tpu.memref_slice %arg15[%dma_start3A_161] : memref<100096xf32, #tpu.memory_space<vmem_shared>> -> memref<100096xf32, #tpu.memory_space<vmem_shared>>
          tpu.enqueue_indirect_dma source(%dma_start3A_160 : memref<512xf32, #tpu.memory_space<vmem>>) target(%dma_start3A_162 : memref<100096xf32, #tpu.memory_space<vmem_shared>>) offsets(%arg13 : memref<512xi32, #tpu.memory_space<vmem>>) semaphore(%run_scoped3A : memref<!tpu.dma_semaphore, #tpu.memory_space<semaphore_mem>>) {add = true}
          %dma_wait3A = tpu.memref_slice %arg11[%mul3A_159] : memref<14336xf32, #tpu.memory_space<vmem>> -> memref<512xf32, #tpu.memory_space<vmem>>
          %dma_wait3A_163 = arith.constant 0 : i32
          %dma_wait3A_164 = tpu.memref_slice %arg15[%dma_wait3A_163] : memref<100096xf32, #tpu.memory_space<vmem_shared>> -> memref<100096xf32, #tpu.memory_space<vmem_shared>>
          tpu.wait_indirect_dma semaphore(%run_scoped3A : memref<!tpu.dma_semaphore, #tpu.memory_space<semaphore_mem>>) src(%dma_wait3A : memref<512xf32, #tpu.memory_space<vmem>>) dst(%dma_wait3A_164 : memref<100096xf32, #tpu.memory_space<vmem_shared>>)
          tpu.yield
        }) : () -> ()
      }
      %while3A_135 = arith.constant 1 : i32
      scf.for %while3A_148 = %while3A_133 to %while3A_129 step %while3A_135  : i32 {
        %mul3A_149 = arith.constant 512 : i32
        %mul3A_150 = arith.muli %while3A_148, %mul3A_149 : i32
        %add3A_151 = arith.addi %scan3A_93#0, %mul3A_150 : i32
        %scan3A_152 = arith.constant 0 : i32
        %scan3A_153 = arith.constant 0 : i32
        %scan3A_154 = arith.constant 32 : i32
        %scan3A_155 = arith.addi %scan3A_153, %scan3A_154 : i32
        %scan3A_156 = arith.constant 1 : i32
        scf.for %scan3A_160 = %scan3A_153 to %scan3A_155 step %scan3A_156  : i32 {
          %mul3A_161 = arith.constant 16 : i32
          %mul3A_162 = arith.muli %mul3A_161, %scan3A_160 : i32
          %get3A = arith.index_cast %mul3A_162 : i32 to index
          %get3A_163 = tpu.vector_load %arg12[%get3A] {strides = array<i32>} : memref<512xi32, #tpu.memory_space<vmem>>, vector<16xi32>,
          %add3A_164 = vector.broadcast %add3A_151 : i32 to vector<16xi32>
          %add3A_165 = arith.addi %get3A_163, %add3A_164 : vector<16xi32>
          %min3A = arith.constant 100095 : i32
          %min3A_166 = vector.broadcast %min3A : i32 to vector<16xi32>
          %min3A_167 = arith.minsi %add3A_165, %min3A_166 : vector<16xi32>
          %mul3A_168 = arith.constant 16 : i32
          %mul3A_169 = arith.muli %mul3A_168, %scan3A_160 : i32
          %swap3A = arith.index_cast %mul3A_169 : i32 to index
          %swap3A_170 = tpu.vector_load %arg13[%swap3A] {strides = array<i32>} : memref<512xi32, #tpu.memory_space<vmem>>, vector<16xi32>,
          tpu.vector_store %arg13[%swap3A], %min3A_167 {strides = array<i32>} : memref<512xi32, #tpu.memory_space<vmem>>, vector<16xi32>,
        }
        %scan3A_157 = arith.constant 32 : i32
        %mul3A_158 = arith.constant 512 : i32
        %mul3A_159 = arith.muli %while3A_148, %mul3A_158 : i32
        "tpu.region"() ({
          %run_scoped3A = tpu.sem_alloc : memref<!tpu.dma_semaphore, #tpu.memory_space<semaphore_mem>>
          %dma_start3A_160 = tpu.memref_slice %arg11[%mul3A_159] : memref<14336xf32, #tpu.memory_space<vmem>> -> memref<512xf32, #tpu.memory_space<vmem>>
          %dma_start3A_161 = arith.constant 0 : i32
          %dma_start3A_162 = tpu.memref_slice %arg15[%dma_start3A_161] : memref<100096xf32, #tpu.memory_space<vmem_shared>> -> memref<100096xf32, #tpu.memory_space<vmem_shared>>
          tpu.enqueue_indirect_dma source(%dma_start3A_160 : memref<512xf32, #tpu.memory_space<vmem>>) target(%dma_start3A_162 : memref<100096xf32, #tpu.memory_space<vmem_shared>>) offsets(%arg13 : memref<512xi32, #tpu.memory_space<vmem>>) semaphore(%run_scoped3A : memref<!tpu.dma_semaphore, #tpu.memory_space<semaphore_mem>>) {add = true}
          %dma_wait3A = tpu.memref_slice %arg11[%mul3A_159] : memref<14336xf32, #tpu.memory_space<vmem>> -> memref<512xf32, #tpu.memory_space<vmem>>
          %dma_wait3A_163 = arith.constant 0 : i32
          %dma_wait3A_164 = tpu.memref_slice %arg15[%dma_wait3A_163] : memref<100096xf32, #tpu.memory_space<vmem_shared>> -> memref<100096xf32, #tpu.memory_space<vmem_shared>>
          tpu.wait_indirect_dma semaphore(%run_scoped3A : memref<!tpu.dma_semaphore, #tpu.memory_space<semaphore_mem>>) src(%dma_wait3A : memref<512xf32, #tpu.memory_space<vmem>>) dst(%dma_wait3A_164 : memref<100096xf32, #tpu.memory_space<vmem_shared>>)
          tpu.yield
        }) : () -> ()
      }
      %mul3A_136 = arith.constant 32 : i32
      %mul3A_137 = arith.muli %select_n3A, %mul3A_136 : i32
      %while3A_138 = arith.constant 0 : i32
      %while3A_139 = arith.constant 0 : i32
      %while3A_140 = arith.subi %mul3A_137, %while3A_139 : i32
      %while3A_141 = arith.addi %while3A_139, %while3A_140 : i32
      %while3A_142 = arith.constant 1 : i32
      %while3A_143 = arith.divsi %while3A_140, %while3A_142 : i32
      %while3A_144 = arith.muli %while3A_143, %while3A_142 : i32
      %while3A_145 = arith.addi %while3A_139, %while3A_144 : i32
      %while3A_146 = arith.constant 1 : i32
      scf.for %while3A_148 = %while3A_139 to %while3A_145 step %while3A_146  : i32 {
        %mul3A_149 = arith.constant 16 : i32
        %mul3A_150 = arith.muli %mul3A_149, %while3A_148 : i32
        %swap3A = arith.index_cast %mul3A_150 : i32 to index
        %swap3A_151 = tpu.vector_load %arg11[%swap3A] {strides = array<i32>} : memref<14336xf32, #tpu.memory_space<vmem>>, vector<16xf32>,
        tpu.vector_store %arg11[%swap3A], %broadcast_in_dim3A_3 {strides = array<i32>} : memref<14336xf32, #tpu.memory_space<vmem>>, vector<16xf32>,
      }
      %while3A_147 = arith.constant 1 : i32
      scf.for %while3A_148 = %while3A_145 to %while3A_141 step %while3A_147  : i32 {
        %mul3A_149 = arith.constant 16 : i32
        %mul3A_150 = arith.muli %mul3A_149, %while3A_148 : i32
        %swap3A = arith.index_cast %mul3A_150 : i32 to index
        %swap3A_151 = tpu.vector_load %arg11[%swap3A] {strides = array<i32>} : memref<14336xf32, #tpu.memory_space<vmem>>, vector<16xf32>,
        tpu.vector_store %arg11[%swap3A], %broadcast_in_dim3A_3 {strides = array<i32>} : memref<14336xf32, #tpu.memory_space<vmem>>, vector<16xf32>,
      }
    } else {
    }
    %barrier3A_97 = arith.constant 0 : index
    tpu.barrier barrier_id(%barrier3A_97)
    %mul3A_98 = arith.constant 6256 : i32
    %mul3A_99 = arith.muli %arg1, %mul3A_98 : i32
    "tpu.region"() ({
      %run_scoped3A = tpu.sem_alloc : memref<!tpu.dma_semaphore, #tpu.memory_space<semaphore_mem>>
      %dma_start3A_105 = arith.constant 0 : i32
      %dma_start3A_106 = tpu.memref_slice %arg6[%dma_start3A_105] : memref<100000xf32, #tpu.memory_space<vmem>> -> memref<6256xf32, #tpu.memory_space<vmem>>
      %dma_start3A_107 = tpu.memref_slice %arg15[%mul3A_99] : memref<100096xf32, #tpu.memory_space<vmem_shared>> -> memref<6256xf32, #tpu.memory_space<vmem_shared>>
      %dma_start3A_108 = arith.constant 0 : i32
      %dma_start3A_109 = tpu.memref_slice %arg6[%dma_start3A_108] : memref<100000xf32, #tpu.memory_space<vmem>> -> memref<6256xf32, #tpu.memory_space<vmem>>
      %dma_start3A_110 = tpu.memref_slice %arg15[%mul3A_99] : memref<100096xf32, #tpu.memory_space<vmem_shared>> -> memref<6256xf32, #tpu.memory_space<vmem_shared>>
      tpu.enqueue_dma source(%dma_start3A_110 : memref<6256xf32, #tpu.memory_space<vmem_shared>>) target(%dma_start3A_109 : memref<6256xf32, #tpu.memory_space<vmem>>) target_semaphore(%run_scoped3A : memref<!tpu.dma_semaphore, #tpu.memory_space<semaphore_mem>>)
      %dma_wait3A = arith.constant 0 : i32
      %dma_wait3A_111 = tpu.memref_slice %arg6[%dma_wait3A] : memref<100000xf32, #tpu.memory_space<vmem>> -> memref<6256xf32, #tpu.memory_space<vmem>>
      %dma_wait3A_112 = tpu.memref_slice %arg15[%mul3A_99] : memref<100096xf32, #tpu.memory_space<vmem_shared>> -> memref<6256xf32, #tpu.memory_space<vmem_shared>>
      %dma_wait3A_113 = arith.constant 0 : i32
      %dma_wait3A_114 = tpu.memref_slice %arg6[%dma_wait3A_113] : memref<100000xf32, #tpu.memory_space<vmem>> -> memref<6256xf32, #tpu.memory_space<vmem>>
      %dma_wait3A_115 = tpu.memref_slice %arg15[%mul3A_99] : memref<100096xf32, #tpu.memory_space<vmem_shared>> -> memref<6256xf32, #tpu.memory_space<vmem_shared>>
      tpu.wait_dma2 semaphore(%run_scoped3A : memref<!tpu.dma_semaphore, #tpu.memory_space<semaphore_mem>>) src(%dma_wait3A_115 : memref<6256xf32, #tpu.memory_space<vmem_shared>>) dst(%dma_wait3A_114 : memref<6256xf32, #tpu.memory_space<vmem>>)
      tpu.yield
    }) : () -> ()
    %mul3A_100 = arith.constant 100096 : i32
    %mul3A_101 = arith.muli %arg0, %mul3A_100 : i32
    %mul3A_102 = arith.constant 6256 : i32
    %mul3A_103 = arith.muli %arg1, %mul3A_102 : i32
    %add3A_104 = arith.addi %mul3A_101, %mul3A_103 : i32
    "tpu.region"() ({
      %run_scoped3A = tpu.sem_alloc : memref<!tpu.dma_semaphore, #tpu.memory_space<semaphore_mem>>
      %dma_start3A_105 = arith.constant 0 : i32
      %dma_start3A_106 = tpu.memref_slice %arg6[%dma_start3A_105] : memref<100000xf32, #tpu.memory_space<vmem>> -> memref<6256xf32, #tpu.memory_space<vmem>>
      %dma_start3A_107 = tpu.memref_slice %arg5[%add3A_104] : memref<200192xf32, #tpu.memory_space<hbm>> -> memref<6256xf32, #tpu.memory_space<hbm>>
      %dma_start3A_108 = tpu.memref_slice %arg5[%add3A_104] : memref<200192xf32, #tpu.memory_space<hbm>> -> memref<6256xf32, #tpu.memory_space<hbm>>
      %dma_start3A_109 = arith.constant 0 : i32
      %dma_start3A_110 = tpu.memref_slice %arg6[%dma_start3A_109] : memref<100000xf32, #tpu.memory_space<vmem>> -> memref<6256xf32, #tpu.memory_space<vmem>>
      tpu.enqueue_dma source(%dma_start3A_110 : memref<6256xf32, #tpu.memory_space<vmem>>) target(%dma_start3A_108 : memref<6256xf32, #tpu.memory_space<hbm>>) target_semaphore(%run_scoped3A : memref<!tpu.dma_semaphore, #tpu.memory_space<semaphore_mem>>)
      %dma_wait3A = arith.constant 0 : i32
      %dma_wait3A_111 = tpu.memref_slice %arg6[%dma_wait3A] : memref<100000xf32, #tpu.memory_space<vmem>> -> memref<6256xf32, #tpu.memory_space<vmem>>
      %dma_wait3A_112 = tpu.memref_slice %arg5[%add3A_104] : memref<200192xf32, #tpu.memory_space<hbm>> -> memref<6256xf32, #tpu.memory_space<hbm>>
      %dma_wait3A_113 = tpu.memref_slice %arg5[%add3A_104] : memref<200192xf32, #tpu.memory_space<hbm>> -> memref<6256xf32, #tpu.memory_space<hbm>>
      %dma_wait3A_114 = arith.constant 0 : i32
      %dma_wait3A_115 = tpu.memref_slice %arg6[%dma_wait3A_114] : memref<100000xf32, #tpu.memory_space<vmem>> -> memref<6256xf32, #tpu.memory_space<vmem>>
      tpu.wait_dma2 semaphore(%run_scoped3A : memref<!tpu.dma_semaphore, #tpu.memory_space<semaphore_mem>>) src(%dma_wait3A_115 : memref<6256xf32, #tpu.memory_space<vmem>>) dst(%dma_wait3A_113 : memref<6256xf32, #tpu.memory_space<hbm>>)
      tpu.yield
    }) : () -> ()
    return
  }
}

module attributes {stable_mosaic.version = 14 : i64} {
  func.func @_tc_add(%arg0: memref<782x128xf32, #tpu.memory_space<vmem>>, %arg1: memref<782x128xf32, #tpu.memory_space<vmem>>, %arg2: memref<782x128xf32, #tpu.memory_space<vmem>>) attributes {dimension_semantics = [], scalar_prefetch = 0 : i64, scratch_operands = 0 : i64, tpu.core_type = #tpu.core_type<tc>} {
    %get3A = arith.constant 0 : index
    %get3A_0 = arith.constant 0 : index
    %get3A_1 = vector.load %arg0[%get3A, %get3A_0] : memref<782x128xf32, #tpu.memory_space<vmem>>, vector<782x128xf32>
    %get3A_2 = arith.constant 0 : index
    %get3A_3 = arith.constant 0 : index
    %get3A_4 = vector.load %arg1[%get3A_2, %get3A_3] : memref<782x128xf32, #tpu.memory_space<vmem>>, vector<782x128xf32>
    %add3A = arith.addf %get3A_1, %get3A_4 : vector<782x128xf32>
    %swap3A = arith.constant 0 : index
    %swap3A_5 = arith.constant 0 : index
    %swap3A_6 = vector.load %arg2[%swap3A, %swap3A_5] : memref<782x128xf32, #tpu.memory_space<vmem>>, vector<782x128xf32>
    tpu.vector_store %arg2[%swap3A, %swap3A_5], %add3A {strides = array<i32>} : memref<782x128xf32, #tpu.memory_space<vmem>>, vector<782x128xf32>,
    return
  }
}

</mosaic_0001>

<sc_bundles>
// kernel: kernel.4.cloned.1.call-start
scs
__scs_entry_jumppad:
0x0: {  	(pc) =	sbr.rel $0x88, $3  }
0x1: {  	(tag) =	ssettag $0x0;
	lr =	simm.s32 $0x1  }
0x2: {  	[smem:$0x3F9E] =	sst lr;
	_ =	strace $0xD0000000  }
0x3: {  	_ = 	snop  }
0x4: {  	_ = 	snop  }
0x5: {  	_ = 	snop  }
0x6: {  	_ = 	snop  }
0x7: {  	_ = 	snop  }
__scs_overlays_trampoline_lowered:
0x8: {  	[smem:$0x3FAD] =	sst s0  }
0x9: {  	[smem:$0x3FAE] =	sst s1  }
0xa: {  	[smem:$0x3FAF] =	sst s2  }
0xb: {  	[smem:$0x3FB0] =	sst s3  }
0xc: {  	[smem:$0x3FB1] =	sst s4  }
0xd: {  	[smem:$0x3FB2] =	sst s5  }
0xe: {  	[smem:$0x3FB3] =	sst s6  }
0xf: {  	[smem:$0x3FB4] =	sst s7  }
0x10: {  	[smem:$0x3FB5] =	sst s8  }
0x11: {  	[smem:$0x3FB6] =	sst s9;
	s0 =	simm.s32 @!p0 $0x0  }
0x12: {  	s1 =	sld [smem:$0x3F9C];
	s0 =	simm.s32 @p0 $0x1  }
0x13: {  	[smem:$0x3FB7] =	sst s0;
	s0 =	simm.s32 @!p1 $0x0  }
0x14: {  	s2 =	sld [smem:$0x3F9B];
	s0 =	simm.s32 @p1 $0x1  }
0x15: {  	[smem:$0x3FB8] =	sst s0;
	s0 =	simm.s32 @!p2 $0x0  }
0x16: {  	s3 =	sld [smem:$0x3FDB];
	s0 =	simm.s32 @p2 $0x1  }
0x17: {  	s4 =	simm.s32 $0x1BF5;
	[smem:$0x3FBA] =	sst s0  }
0x18: {  	s0 =	sld [smem:$0x3F9D];
	_ =	swait.ge [sflag:s4], $0x0  }
0x19: {  	s7 =	sld [smem:$0x3F9E]  }
0x1a: {  	s8 =	sadd.s32 $0xFFFFE003, lr  }
0x1b: {  	s9 =	sadd.s32 $0xFFFFFEF7, lr;
	s5 =	simm.s32 $0xFFFFFFFF;
	p2 =	slt.u32 s8, $0xFFFFF086  }
0x1c: {  	p1 =	slt.u32 s9, $0xF7A;
	s5 =	simm.s32 @!p2 $0x0  }
0x1d: {  	s5 =	simm.s32 @p1 $0x1;
	p0 =	seq.s32 s7, s2  }
0x1e: {  	s7 =	smul.u32 @!p0 $0xF7A, s2;
	p2 =	seq.s32 @!p0 s5, $0x0  }
0x1f: {  	s9 =	smul.u32 $0xF7A, s1;
	s8 =	simm.s32 @!p0 $0x1BF5;
	p2 =	por !p2, p0  }
0x20: {  	[sflag:s8] =	ssyncset.s32 @!p0 $0xFFFFF086;
	s6 =	sadd.s32 @!p0 s3, s7;
	s7 =	simm.s32 @!p0 $0x108  }
0x21: {  	s3 =	sadd.s32 s3, s9;
	s6 =	sadd.s32 @!p0 $0x88, s6;
	s7 =	simm.s32 @p2 $0x1082  }
0x22: {  	[simem:s7], [sflag:s8] =	dma.local @!p0 [hbm:s6], $0xF7A  }
0x23: {  	s9 =	sor.u32 $0xD0000000, s2;
	s6 =	simm.s32 $0x108;
	_ =	swait.ge @!p0 [sflag:s8], $0x0  }
0x24: {  	s3 =	sadd.s32 $0x88, s3;
	s6 =	simm.s32 @!p1 $0x1082;
	[sflag:s4] =	ssyncset.s32 $0xFFFFF086  }
0x25: {  	[simem:s6], [sflag:s4] =	dma.local [hbm:s3], $0xF7A  }
0x26: {  	[smem:$0x3F9E] =	sst s1;
	(tag) =	ssettag s2;
	_ =	strace s9  }
0x27: {  	s1 =	sld [smem:$0x3FAE]  }
0x28: {  	s2 =	sld [smem:$0x3FAF]  }
0x29: {  	s4 =	sld [smem:$0x3FB1]  }
0x2a: {  	p0 =	seq.s32 s5, $0x0;
	s5 =	sld [smem:$0x3FB2]  }
0x2b: {  	s6 =	sld [smem:$0x3FB3]  }
0x2c: {  	s7 =	sld [smem:$0x3FB4]  }
0x2d: {  	s3 =	simm.s32 $0x108;
	s8 =	sld [smem:$0x3FB5]  }
0x2e: {  	s3 =	simm.s32 @!p0 $0x1082;
	s9 =	sld [smem:$0x3FB6]  }
0x2f: {  	lr =	sadd.s32 s0, s3;
	s0 =	sld [smem:$0x3FAD]  }
0x30: {  	s3 =	sld [smem:$0x3FB0]  }
0x31: {  	[smem:$0x3FB9] =	sst s10  }
0x32: {  	s10 =	sld [smem:$0x3FB7];
	_ =	sdelay $0x3  }
0x33: {  	p0 =	seq.s32 s10, $0x1;
	s10 =	sld [smem:$0x3FB9];
	_ =	sdelay $0x3  }
0x34: {  	[smem:$0x3FB9] =	sst s10  }
0x35: {  	s10 =	sld [smem:$0x3FB8];
	_ =	sdelay $0x3  }
0x36: {  	p1 =	seq.s32 s10, $0x1;
	s10 =	sld [smem:$0x3FB9];
	_ =	sdelay $0x3  }
0x37: {  	[smem:$0x3FB9] =	sst s10  }
0x38: {  	s10 =	sld [smem:$0x3FBA]  }
0x39: {  	_ = 	snop;
	(pc) =	sbr.ind lr, $3  }
0x3a: {  	_ = 	snop  }
0x3b: {  	_ = 	snop  }
0x3c: {  	p2 =	seq.s32 s10, $0x1;
	s10 =	sld [smem:$0x3FB9]  }
0x3d: {  	_ =	shalt  }
0x3e: {  	_ =	shalt  }
0x3f: {  	_ =	shalt  }
0x40: {  	_ =	shalt  }
0x41: {  	_ =	shalt  }
0x42: {  	_ =	shalt  }
0x43: {  	_ =	shalt  }
0x44: {  	_ =	shalt  }
0x45: {  	_ =	shalt  }
0x46: {  	_ =	shalt  }
0x47: {  	_ =	shalt  }
0x48: {  	_ =	shalt  }
0x49: {  	_ =	shalt  }
0x4a: {  	_ =	shalt  }
0x4b: {  	_ =	shalt  }
0x4c: {  	_ =	shalt  }
0x4d: {  	_ =	shalt  }
0x4e: {  	_ =	shalt  }
0x4f: {  	_ =	shalt  }
0x50: {  	_ =	shalt  }
0x51: {  	_ =	shalt  }
0x52: {  	_ =	shalt  }
0x53: {  	_ =	shalt  }
0x54: {  	_ =	shalt  }
0x55: {  	_ =	shalt  }
0x56: {  	_ =	shalt  }
0x57: {  	_ =	shalt  }
0x58: {  	_ =	shalt  }
0x59: {  	_ =	shalt  }
0x5a: {  	_ =	shalt  }
0x5b: {  	_ =	shalt  }
0x5c: {  	_ =	shalt  }
0x5d: {  	_ =	shalt  }
0x5e: {  	_ =	shalt  }
0x5f: {  	_ =	shalt  }
0x60: {  	_ =	shalt  }
0x61: {  	_ =	shalt  }
0x62: {  	_ =	shalt  }
0x63: {  	_ =	shalt  }
0x64: {  	_ =	shalt  }
0x65: {  	_ =	shalt  }
0x66: {  	_ =	shalt  }
0x67: {  	_ =	shalt  }
0x68: {  	_ =	shalt  }
0x69: {  	_ =	shalt  }
0x6a: {  	_ =	shalt  }
0x6b: {  	_ =	shalt  }
0x6c: {  	_ =	shalt  }
0x6d: {  	_ =	shalt  }
0x6e: {  	_ =	shalt  }
0x6f: {  	_ =	shalt  }
0x70: {  	_ =	shalt  }
0x71: {  	_ =	shalt  }
0x72: {  	_ =	shalt  }
0x73: {  	_ =	shalt  }
0x74: {  	_ =	shalt  }
0x75: {  	_ =	shalt  }
0x76: {  	_ =	shalt  }
0x77: {  	_ =	shalt  }
0x78: {  	_ =	shalt  }
0x79: {  	_ =	shalt  }
0x7a: {  	_ =	shalt  }
0x7b: {  	_ =	shalt  }
0x7c: {  	_ =	shalt  }
0x7d: {  	_ =	shalt  }
0x7e: {  	_ =	shalt  }
0x7f: {  	_ =	shalt  }
0x80: {  	_ =	shalt  }
0x81: {  	_ =	shalt  }
0x82: {  	_ =	shalt  }
0x83: {  	_ =	shalt  }
0x84: {  	_ =	shalt  }
0x85: {  	_ =	shalt  }
0x86: {  	_ =	shalt  }
0x87: {  	_ =	shalt  }
.Lfunc_end0:
.L_simem_size_0:
called_computation_lowered:
.L_overlay_start_0:
0x88: {  	s2 =	sld [smem:$0x3FD9]  }
0x89: {  	s3 =	sld [smem:$0x3FFE];
	_ =	sdelay $0x1  }
0x8a: {  	s1 =	srdreg.scid  }
0x8b: {  	s0 =	sand.u32 $0x1, s1  }
0x8c: {  	s17 =	sshll.u32 s0, $0xA;
	s2 =	sadd.s32 s3, s2  }
0x8d: {  	s2 =	sadd.s32 s2, s17  }
0x8e: {  	[smem:$0x3FC5] =	sst s2  }
0x8f: {  	_ = 	snop  }
0x90: {  	s2 =	sld [smem:$0x3FC9]  }
0x91: {  	s18 =	sld [smem:$0x3FC8]  }
0x92: {  	s4 =	sld [smem:$0x3FC7];
	(tm) =	ssettm $0x1  }
0x93: {  	s5 =	sld [smem:$0x3FFB];
	_ =	sdelay $0x3  }
0x94: {  	_ =	strace s5  }
0x95: {  	s5 =	sld [smem:$0x3FFC];
	_ =	sdelay $0x3  }
0x96: {  	_ =	strace s5  }
0x97: {  	s5 =	sld [smem:$0x3FFD];
	_ =	sdelay $0x3  }
0x98: {  	_ =	strace s5  }
0x99: {  	_ =	strace $0x8FFFFFFF  }
0x9a: {  	s19 =	sld [smem:$0x3FDB];
	_ =	sdelay $0x1  }
0x9b: {  	s6 =	simm.s32 $_scs_section_size  }
0x9c: {  	s7 =	simm.s32 $_size__tile_overlayer_lowered;
	s8 =	simm.s32 $_tile_overlayer_lowered  }
0x9d: {  	s22 =	simm.s32 $0x1BFF;
	s21 =	sshll.u32 s8, $0x1;
	s5 =	sadd.s32 s6, s19  }
0x9e: {  	s9 =	simm.s32 $0x0;
	s20 =	sshll.u32 s7, $0x1;
	s7 =	sadd.s32 s21, s5  }
0x9f: {  	[timem:s9], [sflag:s22] =	dma.local [hbm:s7], s20  }
0xa0: {  	_ =	swait.ge [sflag:s22], s20  }
0xa1: {  	s6 =	ssub.s32 $0x0, s20;
	[sflag:s22] =	ssyncset.done $0x0  }
0xa2: {  	[sflag:s22] =	ssyncadd.s32 s6;
	_ =	sdelay $0x1  }
0xa3: {  	s23 =	simm.s32 $0x1B8B  }
0xa4: {  	_ =	swait.ge [sflag:s23], $0x1  }
0xa5: {  	[sflag:s23] =	ssyncset.done $0x0  }
0xa6: {  	s25 =	simm.s32 $0x1B8E;
	s24 =	sld [smem:$0x3FFE];
	[sflag:s23] =	ssyncadd.s32 $0xFFFFFFFF  }
0xa7: {  	s26 =	simm.s32 $execute0_lowered;
	[smem:$0x3FD2] =	sst s25  }
0xa8: {  	s7 =	sshll.u32 s26, $0x1;
	_ =	strace $0x80000046;
	[dreg:$0x1] =	wrdreg $0xFFFFFFFF  }
0xa9: {  	s28 =	simm.s32 $_size_execute0_lowered;
	s5 =	sadd.s32 s5, s7;
	[dreg:$0x0] =	wrdreg $0x0  }
0xaa: {  	s7 =	sshll.u32 s28, $0x1;
	[dreg:$0x2] =	wrdreg s5  }
0xab: {  	[dreg:$0x3] =	wrdreg s7  }
0xac: {  	[dreg:$0x4] =	wrdreg $0xC0  }
0xad: {  	_ =	task [dreg:s9], $0x5FFFF  }
0xae: {  	[dreg:$0x1] =	wrdreg $0xFFFFFFFF  }
0xaf: {  	[dreg:$0x0] =	wrdreg $0x60  }
0xb0: {  	[dreg:$0x2] =	wrdreg s2  }
0xb1: {  	[dreg:$0x3] =	wrdreg s18  }
0xb2: {  	[dreg:$0x4] =	wrdreg s4  }
0xb3: {  	[dreg:$0x5] =	wrdreg s24  }
0xb4: {  	[dreg:$0x6] =	wrdreg $0x1E5000  }
0xb5: {  	[dreg:$0x7] =	wrdreg $0x9  }
0xb6: {  	_ =	task.clear_ibuf [dreg:s9], $0x8FFFF;
	_ =	strace $0x90000046  }
0xb7: {  	s29 =	simm.s32 $0x9;
	_ =	strace $0x80000048  }
0xb8: {  	_ =	swait.ge [sflag:s29], $0x1  }
0xb9: {  	[sflag:s29] =	ssyncadd.s32 $0xFFFFFFFF  }
0xba: {  	_ =	strace $0x90000048  }
0xbb: {  	_ =	sfence  }
0xbc: {  	s30 =	sld [smem:$0x0];
	_ =	sdelay $0x2  }
0xbd: {  	s31 =	sshll.u32 s1, $0xD;
	s1 =	sshrl.u32 s1, $0x2  }
0xbe: {  	s3 =	sand.u32 $0x4000, s31;
	s1 =	sadd.s32 s1, s30  }
0xbf: {  	s0 =	sor.u32 s3, s0;
	s1 =	sshll.u32 s1, $0x11  }
0xc0: {  	s0 =	sor.u32 s1, s0  }
0xc1: {  	s0 =	sadd.s32 $0x8F2B, s0  }
0xc2: {  	[sflag:s0] =	ssyncadd.remote.s32 $0x1  }
0xc3: {  	_ =	sfence.sel $0xFFFF  }
0xc4: {  	[dreg:$0x0] =	wrdreg $0xFFFFFFFF;
	(pc) =	sbr.abs _section_cstart, $3  }
0xc5: {  	[dreg:$0x1] =	wrdreg $0xFFFFFFFF  }
0xc6: {  	_ =	task.clear_ibuf [dreg:s9], $0x2FFFF;
	_ =	strace $0x9FFFFFFF  }
0xc7: {  	(tm) =	ssettm $0x7FFFFFFF  }
tec
execute0_lowered:
.L_overlay_start_1:
0x0: {  	(tag) =	ssettag $0x1  }
0x1: {  	s2 =	rddreg [dreg:$0x1]  }
0x2: {  	s3 =	rddreg [dreg:$0x2]  }
0x3: {  	s0 =	srdreg.scid;
	s1 =	rddreg [dreg:$0x3]  }
0x4: {  	s6 =	stileid.u32;
	s5 =	rddreg [dreg:$0x4];
	s0 =	sand.u32 $0x1, s0  }
0x5: {  	s4 =	smul.u32 $0x1870, s6;
	s8 =	sshll.u32 s6, $0x1;
	s6 =	simm.s32 $0x0  }
0x6: {  	s7 =	smul.u32 $0x18700, s0;
	s8 =	sor.u32 s0, s8;
	s0 =	ssub.s32 $0x2, s0  }
0x7: {  	[smem:$0x7FF] =	sst s6;
	s8 =	smul.u32 $0x30D40, s8;
	s9 =	sshrl.u32 s0, $0x1  }
0x8: {  	_ =	strace $0x80000047;
	s7 =	sadd.s32 s4, s7;
	s0 =	ssub.s32 s0, s9  }
0x9: {  	s7 =	sshrl.u32 s7, $0x3;
	s10 =	sshrl.u32 s8, $0x3;
	s0 =	smax.u32 s0, $0x1  }
0xa: {  	s1 =	sadd.s32 s7, s1;
	s13 =	sadd.s32 s2, s10;
	[dreg:$0x15] =	wrdreg s0  }
0xb: {  	s7 =	sadd.s32 s4, s5;
	s18 =	sadd.s32 s3, s10;
	[dreg:$0x6] =	wrdreg s13  }
0xc: {  	s14 =	sadd.s32 $0x200, s7;
	[dreg:$0xb] =	wrdreg s18  }
0xd: {  	s15 =	sadd.s32 $0x400, s7;
	[dreg:$0x7] =	wrdreg s14  }
0xe: {  	s16 =	sadd.s32 $0x600, s7;
	[dreg:$0x8] =	wrdreg s15  }
0xf: {  	s29 =	simm.s32 $0x5;
	s17 =	sadd.s32 $0x800, s7;
	[dreg:$0x9] =	wrdreg s16  }
0x10: {  	s30 =	simm.s32 $0x1E300;
	s19 =	sadd.s32 $0xA00, s7;
	[dreg:$0xa] =	wrdreg s17  }
0x11: {  	s31 =	simm.s32 $0x1;
	s20 =	sadd.s32 $0xC00, s7;
	[dreg:$0xc] =	wrdreg s19  }
0x12: {  	s28 =	simm.s32 $0x1E100;
	s21 =	sadd.s32 $0xE00, s7;
	[dreg:$0xd] =	wrdreg s20  }
0x13: {  	v0 =	vimm.s32 $0xFFEDCBA9;
	v1 =	vimm.s32 $0x87654321;
	s11 =	simm.s32 $0x0;
	s22 =	sadd.s32 $0x1000, s7;
	[dreg:$0xe] =	wrdreg s21  }
0x14: {  	v0 =	vunpack.c.l.s4.s8 v0;
	v1 =	vunpack.c.l.s4.s8 v1;
	s9 =	simm.s32 $0x2;
	s23 =	sadd.s32 $0x1200, s7;
	[dreg:$0xf] =	wrdreg s22  }
0x15: {  	s4 =	simm.s32 $0x3;
	s24 =	sadd.s32 $0x1400, s7;
	[dreg:$0x10] =	wrdreg s23  }
.Ltmp0:
0x16: {  	v0 =	vunpack.c.0.s8.s32 v0;
	v1 =	vunpack.c.0.s8.s32 v1;
	s25 =	sadd.s32 $0x1600, s7;
	[dreg:$0x11] =	wrdreg s24;
	(pc) =	sbr.rel .LBB2_1-.Ltmp0, $4  }
0x17: {  	s0 =	simm.s32 $0x18F00;
	s26 =	sadd.s32 $0x1800, s7;
	[dreg:$0x12] =	wrdreg s25  }
0x18: {  	v0 =	vcombine.low v1, v0;
	s10 =	simm.s32 $0x4;
	s1 =	sadd.s32 $0x400, s1;
	[dreg:$0x13] =	wrdreg s26  }
0x19: {  	v2 =	vimm.f32 $0.0e+00;
	vm0 =	vcmask $0x3F3C;
	vm1 =	vmmov $0x7fff;
	s22 =	sadd.s32 $0x7D0, s8;
	s23 =	sadd.s32 $0xFA0, s8;
	[dreg:$0x14] =	wrdreg s1  }
0x1a: {  	v4 =	vimm.s32 $0x186FF;
	v1 =	vlaneseq.u32;
	v3 =	vand.u32 $0xF, v0;
	s1 =	simm.s32 $0x19F00;
	s26 =	simm.s32 $0x200;
	s8 =	simm.s32 $0x1A700  }
.LBB2_53:
0x1b: {  	[bflag:$0x0] =	sbarrier.arrive $0xFFFF  }
0x1c: {  	[tilespmem:s6], [sflag:$0x5] =	stream.linear.gather [spmem:s7], $0x1870, $0x38;
	[tilespmem:$0x1FD70] =	vst v63  }
0x1d: {  	_ =	swait.ge [sflag:s29], $0x1870  }
0x1e: {  	[sflag:s29] =	ssyncset.done $0x0  }
0x1f: {  	s12 =	rddreg [dreg:$0x14];
	[sflag:s29] =	ssyncadd.s32 $0xFFFFE790  }
0x20: {  	[hbm4b:s12+s6] =	stream.linear.scatter [tilespmem:s6], [sflag:$0x5], $0x1870, $0x38;
	[tilespmem:$0x1FD70] =	vst v63  }
0x21: {  	_ =	swait.ge [sflag:s29], $0x1870  }
0x22: {  	s11 =	sadd.s32 $0x1, s11;
	s25 =	rddreg [dreg:$0x15]  }
0x23: {  	p0 =	sne.s32 s11, s25  }
.Ltmp1:
0x24: {  	_ = 	snop;
	(pc) =	sbr.rel @!p0 .LBB2_54-.Ltmp1, $3  }
0x25: {  	_ =	sdelay $0x1  }
0x26: {  	[sflag:s29] =	ssyncset.done $0x0  }
0x27: {  	[sflag:s29] =	ssyncadd.s32 $0xFFFFE790  }
.LBB2_1:
0x28: {  	s12 =	rddreg [dreg:$0x6];
	s13 =	simm.s32 $0x18700  }
0x29: {  	[tilespmem:s13], [sflag:$0x1] =	stream.linear.gather [hbm4b:s12+s6], $0x7D0, $0x38;
	[tilespmem:$0x1FD70] =	vst v63  }
0x2a: {  	s21 =	rddreg [dreg:$0xb];
	s24 =	simm.s32 $0x19700  }
0x2b: {  	[tilespmem:s24], [sflag:$0x3] =	stream.linear.gather [hbm4b:s21+s6], $0x7D0, $0x38;
	[tilespmem:$0x1FD70] =	vst v63  }
0x2c: {  	s25 =	rddreg [dreg:$0x0]  }
0x2d: {  	[tilespmem:s6], [sflag:$0x5] =	stream.linear.gather [hbm4b:s25+s6], $0x18700, $0x38;
	[tilespmem:$0x1FD70] =	vst v63  }
0x2e: {  	_ =	swait.ge [sflag:s29], $0x18700  }
0x2f: {  	[sflag:s29] =	ssyncset.done $0x0  }
0x30: {  	s12 =	simm.s32 $0x1DF00;
	s13 =	simm.s32 $0x0;
	[sflag:s29] =	ssyncadd.s32 $0xFFFE7900  }
.LBB2_2:
0x31: {  	p0 =	sne.s32 s13, $0x1F0  }
.Ltmp2:
0x32: {  	_ = 	snop;
	(pc) =	sbr.rel @p0 .LBB2_2-.Ltmp2, $3  }
0x33: {  	_ =	sdelay $0x1  }
0x34: {  	v5 =	vor.u32 s13, v1  }
0x35: {  	s13 =	sadd.s32 $0x10, s13;
	[tilespmem:s12+$0x0] =	vst v5;
	s12 =	sadd.s32 $0x10, s12  }
0x36: {  	s12 =	simm.s32 $0x40;
	s13 =	simm.s32 $0x0  }
.LBB2_4:
0x37: {  	p0 =	sne.s32 s12, $0xDFC0;
	[tilespmem:s13+$0x1A700] =	vst v2;
	s13 =	smov.u32 s12;
	s12 =	sadd.s32 $0x40, s12  }
.Ltmp3:
0x38: {  	(pc) =	sbr.rel @p0 .LBB2_4-.Ltmp3, $2  }
0x39: {  	_ =	sdelay $0x2  }
0x3a: {  	s13 =	sshra.s32 s13, $0x2  }
0x3b: {  	[tilespmem:s13+$0x1A700] =	vst v2  }
0x3c: {  	[tilespmem:$0x1E300] =	vst v2  }
0x3d: {  	[tilespmem:$0x1E310] =	vst v2  }
0x3e: {  	[tilespmem:$0x1E320] =	vst v2  }
0x3f: {  	[tilespmem:$0x1E330] =	vst v2  }
0x40: {  	[tilespmem:$0x1E340] =	vst v2  }
0x41: {  	[tilespmem:$0x1E350] =	vst v2  }
0x42: {  	[tilespmem:$0x1E360] =	vst v2  }
0x43: {  	[tilespmem:$0x1E370] =	vst v2  }
0x44: {  	[tilespmem:$0x1E380] =	vst v2  }
0x45: {  	[tilespmem:$0x1E390] =	vst v2  }
0x46: {  	[tilespmem:$0x1E3A0] =	vst v2  }
0x47: {  	[tilespmem:$0x1E3B0] =	vst v2  }
0x48: {  	[tilespmem:$0x1E3C0] =	vst v2  }
0x49: {  	[tilespmem:$0x1E3D0] =	vst v2  }
0x4a: {  	[tilespmem:$0x1E3E0] =	vst v2  }
0x4b: {  	[tilespmem:$0x1E3F0] =	vst v2  }
0x4c: {  	[tilespmem:$0x1E400] =	vst v2  }
0x4d: {  	[tilespmem:$0x1E410] =	vst v2  }
0x4e: {  	[tilespmem:$0x1E420] =	vst v2  }
0x4f: {  	[tilespmem:$0x1E430] =	vst v2  }
0x50: {  	[tilespmem:$0x1E440] =	vst v2  }
0x51: {  	[tilespmem:$0x1E450] =	vst v2  }
0x52: {  	[tilespmem:$0x1E460] =	vst v2  }
0x53: {  	[tilespmem:$0x1E470] =	vst v2  }
0x54: {  	[tilespmem:$0x1E480] =	vst v2  }
0x55: {  	[tilespmem:$0x1E490] =	vst v2  }
0x56: {  	[tilespmem:$0x1E4A0] =	vst v2  }
0x57: {  	[tilespmem:$0x1E4B0] =	vst v2  }
0x58: {  	[tilespmem:$0x1E4C0] =	vst v2  }
0x59: {  	[tilespmem:$0x1E4D0] =	vst v2  }
0x5a: {  	[tilespmem:$0x1E4E0] =	vst v2  }
0x5b: {  	[tilespmem:$0x1E4F0] =	vst v2  }
0x5c: {  	[spmem:s7] =	stream.linear.scatter [tilespmem:s30], [sflag:$0x5], $0x200, $0x38;
	[tilespmem:$0x1FD70] =	vst v63  }
0x5d: {  	_ =	swait.ge [sflag:s29], $0x200  }
0x5e: {  	[sflag:s29] =	ssyncset.done $0x0  }
0x5f: {  	s12 =	rddreg [dreg:$0x7];
	[sflag:s29] =	ssyncadd.s32 $0xFFFFFE00  }
0x60: {  	[spmem:s12] =	stream.linear.scatter [tilespmem:s30], [sflag:$0x5], $0x200, $0x38;
	[tilespmem:$0x1FD70] =	vst v63  }
0x61: {  	_ =	swait.ge [sflag:s29], $0x200  }
0x62: {  	[sflag:s29] =	ssyncset.done $0x0  }
0x63: {  	s13 =	rddreg [dreg:$0x8];
	[sflag:s29] =	ssyncadd.s32 $0xFFFFFE00  }
0x64: {  	[spmem:s13] =	stream.linear.scatter [tilespmem:s30], [sflag:$0x5], $0x200, $0x38;
	[tilespmem:$0x1FD70] =	vst v63  }
0x65: {  	_ =	swait.ge [sflag:s29], $0x200  }
0x66: {  	[sflag:s29] =	ssyncset.done $0x0  }
0x67: {  	s14 =	rddreg [dreg:$0x9];
	[sflag:s29] =	ssyncadd.s32 $0xFFFFFE00  }
0x68: {  	[spmem:s14] =	stream.linear.scatter [tilespmem:s30], [sflag:$0x5], $0x200, $0x38;
	[tilespmem:$0x1FD70] =	vst v63  }
0x69: {  	_ =	swait.ge [sflag:s29], $0x200  }
0x6a: {  	[sflag:s29] =	ssyncset.done $0x0  }
0x6b: {  	s15 =	rddreg [dreg:$0xa];
	[sflag:s29] =	ssyncadd.s32 $0xFFFFFE00  }
0x6c: {  	[spmem:s15] =	stream.linear.scatter [tilespmem:s30], [sflag:$0x5], $0x200, $0x38;
	[tilespmem:$0x1FD70] =	vst v63  }
0x6d: {  	_ =	swait.ge [sflag:s29], $0x200  }
0x6e: {  	[sflag:s29] =	ssyncset.done $0x0  }
0x6f: {  	s16 =	rddreg [dreg:$0xc];
	[sflag:s29] =	ssyncadd.s32 $0xFFFFFE00  }
0x70: {  	[spmem:s16] =	stream.linear.scatter [tilespmem:s30], [sflag:$0x5], $0x200, $0x38;
	[tilespmem:$0x1FD70] =	vst v63  }
0x71: {  	_ =	swait.ge [sflag:s29], $0x200  }
0x72: {  	[sflag:s29] =	ssyncset.done $0x0  }
0x73: {  	s17 =	rddreg [dreg:$0xd];
	[sflag:s29] =	ssyncadd.s32 $0xFFFFFE00  }
0x74: {  	[spmem:s17] =	stream.linear.scatter [tilespmem:s30], [sflag:$0x5], $0x200, $0x38;
	[tilespmem:$0x1FD70] =	vst v63  }
0x75: {  	_ =	swait.ge [sflag:s29], $0x200  }
0x76: {  	[sflag:s29] =	ssyncset.done $0x0  }
0x77: {  	s18 =	rddreg [dreg:$0xe];
	[sflag:s29] =	ssyncadd.s32 $0xFFFFFE00  }
0x78: {  	[spmem:s18] =	stream.linear.scatter [tilespmem:s30], [sflag:$0x5], $0x200, $0x38;
	[tilespmem:$0x1FD70] =	vst v63  }
0x79: {  	_ =	swait.ge [sflag:s29], $0x200  }
0x7a: {  	[sflag:s29] =	ssyncset.done $0x0  }
0x7b: {  	s19 =	rddreg [dreg:$0xf];
	[sflag:s29] =	ssyncadd.s32 $0xFFFFFE00  }
0x7c: {  	[spmem:s19] =	stream.linear.scatter [tilespmem:s30], [sflag:$0x5], $0x200, $0x38;
	[tilespmem:$0x1FD70] =	vst v63  }
0x7d: {  	_ =	swait.ge [sflag:s29], $0x200  }
0x7e: {  	[sflag:s29] =	ssyncset.done $0x0  }
0x7f: {  	s20 =	rddreg [dreg:$0x10];
	[sflag:s29] =	ssyncadd.s32 $0xFFFFFE00  }
0x80: {  	[spmem:s20] =	stream.linear.scatter [tilespmem:s30], [sflag:$0x5], $0x200, $0x38;
	[tilespmem:$0x1FD70] =	vst v63  }
0x81: {  	_ =	swait.ge [sflag:s29], $0x200  }
0x82: {  	[sflag:s29] =	ssyncset.done $0x0  }
0x83: {  	s21 =	rddreg [dreg:$0x11];
	[sflag:s29] =	ssyncadd.s32 $0xFFFFFE00  }
0x84: {  	[spmem:s21] =	stream.linear.scatter [tilespmem:s30], [sflag:$0x5], $0x200, $0x38;
	[tilespmem:$0x1FD70] =	vst v63  }
0x85: {  	_ =	swait.ge [sflag:s29], $0x200  }
0x86: {  	[sflag:s29] =	ssyncset.done $0x0  }
0x87: {  	s24 =	rddreg [dreg:$0x12];
	[sflag:s29] =	ssyncadd.s32 $0xFFFFFE00  }
0x88: {  	[spmem:s24] =	stream.linear.scatter [tilespmem:s30], [sflag:$0x5], $0x200, $0x38;
	[tilespmem:$0x1FD70] =	vst v63  }
0x89: {  	_ =	swait.ge [sflag:s29], $0x200  }
0x8a: {  	[sflag:s29] =	ssyncset.done $0x0  }
0x8b: {  	s25 =	rddreg [dreg:$0x13];
	[sflag:s29] =	ssyncadd.s32 $0xFFFFFE00  }
0x8c: {  	[spmem:s25] =	stream.linear.scatter [tilespmem:s30], [sflag:$0x5], $0x70, $0x38;
	[tilespmem:$0x1FD70] =	vst v63  }
.Ltmp4:
0x8d: {  	_ =	swait.ge [sflag:s29], $0x70;
	(pc) =	sbr.rel .LBB2_6-.Ltmp4, $4  }
0x8e: {  	[sflag:s29] =	ssyncset.done $0x0  }
0x8f: {  	[sflag:s29] =	ssyncadd.s32 $0xFFFFFF90  }
0x90: {  	[bflag:$0x0] =	sbarrier.arrive $0xFFFF  }
0x91: {  	s12 =	simm.s32 $0x0;
	s13 =	simm.s32 $0xFFFFFFFF;
	s15 =	simm.s32 $0x0  }
.LBB2_46:
0x92: {  	s12 =	sadd.s32 $0x1, s12  }
0x93: {  	p0 =	sne.s32 s12, $0x32  }
.Ltmp5:
0x94: {  	_ = 	snop;
	(pc) =	sbr.rel @!p0 .LBB2_47-.Ltmp5, $1  }
0x95: {  	_ =	sdelay $0x3  }
.LBB2_6:
0x96: {  	_ =	swait.ge [sflag:s31], $0x7D0  }
0x97: {  	s14 =	smul.u32 $0xFA0, s12;
	[sflag:s31] =	ssyncset.done $0x0  }
0x98: {  	[sflag:s31] =	ssyncadd.s32 $0xFFFFF830  }
0x99: {  	s16 =	sadd.s32 s14, s22;
	_ =	swait.ge [sflag:s4], $0x7D0  }
0x9a: {  	s16 =	sshrl.u32 s16, $0x3;
	[sflag:s4] =	ssyncset.done $0x0  }
0x9b: {  	s17 =	sadd.s32 s2, s16;
	[sflag:s4] =	ssyncadd.s32 $0xFFFFF830  }
0x9c: {  	[tilespmem:s0], [sflag:$0x2] =	stream.linear.gather [hbm4b:s17+s6], $0x7D0, $0x38;
	[tilespmem:$0x1FD70] =	vst v63  }
0x9d: {  	s16 =	sadd.s32 s3, s16  }
0x9e: {  	[tilespmem:s1], [sflag:$0x4] =	stream.linear.gather [hbm4b:s16+s6], $0x7D0, $0x38;
	[tilespmem:$0x1FD70] =	vst v63  }
0x9f: {  	v5 =	vld [tilespmem:$0x19700]  }
0xa0: {  	v6 =	vld [tilespmem:$0x19EC0];
	_ =	sdelay $0x3  }
0xa1: {  	(v2sf) =	vpush v5, $0x0  }
0xa2: {  	(v2sf) =	vpush v6, $0xF;
	_ =	sdelay $0xd  }
0xa3: {  	s17 =	spop (v2sf)  }
0xa4: {  	s25 =	spop (v2sf)  }
0xa5: {  	s16 =	sadd.s32 $0x1, s25  }
0xa6: {  	p0 =	slt.s32 s13, $0x0;
	s18 =	ssub.s32 s16, s13  }
0xa7: {  	p1 =	slt.s32 @!p0 s18, $0x3801  }
0xa8: {  	p1 =	por p0, p1  }
0xa9: {  	s15 =	ssub.s32 @!p1 s15, s13  }
0xaa: {  	s15 =	sadd.s32 @!p1 $0x1FF, s15  }
0xab: {  	s19 =	sand.u32 @!p1 $0x1FF, s15  }
0xac: {  	p2 =	slt.s32 @!p1 s15, $0x1;
	p3 =	sne.s32 @!p1 s19, $0x0  }
0xad: {  	s19 =	sshra.s32 @!p1 s15, $0x1F;
	p2 =	por @!p1 !p2, !p3  }
0xae: {  	s19 =	sshrl.u32 @!p1 s19, $0x17;
	p2 =	por @!p1 !p2, !p2  }
0xaf: {  	s15 =	sadd.s32 @!p1 s19, s15;
	s19 =	simm.s32 @!p1 $0x1;
	p2 =	por !p2, p1  }
0xb0: {  	s15 =	sshra.s32 @!p1 s15, $0x9;
	s19 =	simm.s32 @p2 $0x0  }
0xb1: {  	s15 =	ssub.s32 @!p1 s15, s19  }
0xb2: {  	p2 =	slt.s32 @!p1 s15, $0x1  }
0xb3: {  	p2 =	por p1, p2  }
.Ltmp6:
0xb4: {  	_ = 	snop;
	(pc) =	sbr.rel @p2 .LBB2_12-.Ltmp6, $2  }
0xb5: {  	_ =	sdelay $0x2  }
0xb6: {  	s19 =	simm.s32 @!p1 $0x0  }
.LBB2_7:
0xb7: {  	s20 =	sshll.u32 s19, $0x9  }
0xb8: {  	s21 =	simm.s32 $0x0;
	s24 =	sadd.s32 s13, s20  }
0xb9: {  	v6 =	vld [tilespmem:s21+$0x1DF00];
	v5 =	vmov s24;
	s24 =	simm.s32 $0x40  }
.LBB2_8:
0xba: {  	_ =	sdelay $0x1  }
0xbb: {  	p1 =	sne.s32 s24, $0x7C0  }
.Ltmp7:
0xbc: {  	_ = 	snop;
	(pc) =	sbr.rel @p1 .LBB2_8-.Ltmp7, $4  }
0xbd: {  	v7 =	vadd.s32 v5, v6  }
0xbe: {  	vm2 =	vlt.s32 v7, $0x186FF  }
0xbf: {  	s25 =	sshra.s32 s24, $0x2;
	v7 =	vnsel vm2, $0x186FF, v7  }
0xc0: {  	s24 =	sadd.s32 $0x40, s24;
	v6 =	vld [tilespmem:s25+$0x1DF00];
	[tilespmem:s21+$0x1E100] =	vst v7;
	s21 =	smov.u32 s25  }
0xc1: {  	_ =	sdelay $0x3  }
0xc2: {  	v5 =	vadd.s32 v5, v6  }
0xc3: {  	s19 =	sadd.s32 $0x1, s19;
	vm2 =	vlt.s32 v5, $0x186FF  }
0xc4: {  	p1 =	sne.s32 s19, s15;
	v5 =	vnsel vm2, $0x186FF, v5  }
.Ltmp8:
0xc5: {  	s20 =	sadd.s32 $0x1A700, s20;
	[tilespmem:s21+$0x1E100] =	vst v5;
	(pc) =	sbr.rel @p1 .LBB2_7-.Ltmp8, $4  }
0xc6: {  	[spmem:s5] =	stream.indirect.scatter.add.f32 [tilespmem:s20], [sflag:$0x5], $0x1, s28, s26, $0xb8;
	[tilespmem:$0x1FD70] =	vst v63  }
0xc7: {  	_ =	swait.ge [sflag:s29], $0x200  }
0xc8: {  	[sflag:s29] =	ssyncset.done $0x0  }
0xc9: {  	[sflag:s29] =	ssyncadd.s32 $0xFFFFFE00  }
0xca: {  	s19 =	sshll.u32 s15, $0x5  }
0xcb: {  	p1 =	sne.s32 s19, $0x1  }
.Ltmp9:
0xcc: {  	_ = 	snop;
	(pc) =	sbr.rel @!p1 .LBB2_12-.Ltmp9, $3  }
0xcd: {  	_ =	sdelay $0x1  }
0xce: {  	s15 =	simm.s32 $0x1A700  }
0xcf: {  	s19 =	sadd.s32 $0xFFFFFFFF, s19;
	[tilespmem:s15+$0x0] =	vst v2  }
.LBB2_11:
0xd0: {  	p1 =	sne.s32 s19, $0x1  }
.Ltmp10:
0xd1: {  	_ = 	snop;
	(pc) =	sbr.rel @p1 .LBB2_11-.Ltmp10, $3  }
0xd2: {  	_ =	sdelay $0x1  }
0xd3: {  	s19 =	sadd.s32 $0xFFFFFFFF, s19;
	s15 =	sadd.s32 $0x10, s15  }
0xd4: {  	[tilespmem:s15+$0x0] =	vst v2  }
.LBB2_12:
0xd5: {  	p1 =	sgt.s32 s18, $0x3800  }
0xd6: {  	p0 =	por p0, p1  }
0xd7: {  	s13 =	smov.u32 @p0 s17  }
0xd8: {  	s15 =	ssub.s32 s16, s13  }
0xd9: {  	p0 =	sgt.s32 s15, $0x3800  }
.Ltmp11:
0xda: {  	_ = 	snop;
	(pc) =	sbr.rel @p0 .LBB2_17-.Ltmp11, $2  }
0xdb: {  	_ =	sdelay $0x2  }
0xdc: {  	s17 =	simm.s32 $0x0  }
0xdd: {  	s18 =	simm.s32 $0x18740  }
0xde: {  	v5 =	vld [tilespmem:s18+$0x0];
	_ =	sdelay $0x2  }
0xdf: {  	v6 =	vld [tilespmem:s18+$0xFFFFFFF0];
	_ =	sdelay $0x2  }
0xe0: {  	s15 =	simm.s32 $0x19740;
	v7 =	vld [tilespmem:s18+$0xFFFFFFC0]  }
0xe1: {  	v8 =	vld [tilespmem:s15+$0x0]  }
0xe2: {  	v5 =	vld.idx.msk [tilespmem:v5+s17+$0x0], $0xffff  }
0xe3: {  	v9 =	vld [tilespmem:s18+$0x10]  }
0xe4: {  	v10 =	vld [tilespmem:s18+$0xFFFFFFE0]  }
0xe5: {  	v6 =	vld.idx.msk [tilespmem:v6+s17+$0x0], $0xffff  }
0xe6: {  	v11 =	vld [tilespmem:s15+$0xFFFFFFF0]  }
0xe7: {  	v13 =	vld [tilespmem:s18+$0xFFFFFFD0];
	(xrf2) =	vadd.scan.msk.f32 $0xffff, v5  }
0xe8: {  	v7 =	vld.idx.msk [tilespmem:v7+s17+$0x0], $0xffff  }
0xe9: {  	v17 =	vld [tilespmem:s15+$0x10];
	v12 =	vperm.xlane v8, v3  }
0xea: {  	v15 =	vld [tilespmem:s15+$0xFFFFFFC0];
	(xrf2) =	vadd.scan.msk.f32 $0xffff, v6  }
0xeb: {  	v18 =	vld [tilespmem:s18+$0x30];
	vm2 =	vne.s32 v8, v12  }
0xec: {  	v9 =	vld.idx.msk [tilespmem:v9+s17+$0x0], $0xffff;
	vm5 =	vmor vm2, vm0;
	v5 =	vmov s13  }
0xed: {  	v21 =	vld [tilespmem:s18+$0x20];
	v6 =	vsub.s32 v8, v5;
	(xrf2) =	vadd.scan.msk.f32 $0xffff, v7  }
0xee: {  	v20 =	vld.idx.msk [tilespmem:v10+s17+$0x0], $0xffff;
	v10 =	vperm.xlane v11, v3;
	vm2 =	vmand vm2, vm1  }
0xef: {  	v14 =	vld [tilespmem:s15+$0xFFFFFFD0];
	v12 =	vsub.s32 v12, v5;
	v7 =	vperm.xlane v15, v3  }
0xf0: {  	v22 =	vld.idx.msk [tilespmem:v13+s17+$0x0], $0xffff;
	vm4 =	vne.s32 v11, v10  }
0xf1: {  	vm6 =	vmor vm4, vm0;
	v8 =	vld [tilespmem:s15+$0x20];
	(xrf2) =	vadd.scan.msk.f32 $0xffff, v9;
	vm3 =	vne.s32 v15, v7;
	v13, _, _ =	vpop (xrf2)  }
0xf2: {  	v11 =	vsub.s32 v11, v5;
	vm7 =	vmor vm3, vm0;
	[tilespmem:v6+s8+$0x0] =	vst.idx.add.f32.msk vm5, v13;
	v6 =	vsub.f32 $0.0e+00, v13  }
0xf3: {  	v16 =	vld [tilespmem:s15+$0xFFFFFFE0];
	v15 =	vsub.s32 v15, v5  }
0xf4: {  	v13, _, _ =	vpop (xrf2);
	(xrf2) =	vadd.scan.msk.f32 $0xffff, v20;
	[tilespmem:v12+s8+$0x0] =	vst.idx.add.f32.msk vm2, v6;
	v6 =	vperm.xlane v17, v3  }
0xf5: {  	v19 =	vld.idx.msk [tilespmem:v18+s17+$0x0], $0xffff  }
0xf6: {  	v18 =	vld.idx.msk [tilespmem:v21+s17+$0x0], $0xffff;
	vm2 =	vne.s32 v17, v6  }
0xf7: {  	v9 =	vperm.xlane v8, v3;
	[tilespmem:v11+s8+$0x0] =	vst.idx.add.f32.msk vm6, v13;
	(xrf2) =	vadd.scan.msk.f32 $0xffff, v22;
	v12, _, _ =	vpop (xrf2);
	vm6 =	vmor vm2, vm0  }
0xf8: {  	v11 =	vsub.s32 v17, v5;
	[tilespmem:v15+s8+$0x0] =	vst.idx.add.f32.msk vm7, v12  }
0xf9: {  	s19 =	simm.s32 $0x187C0;
	s18 =	simm.s32 $0x0;
	vm5 =	vne.s32 v8, v9;
	v15 =	vperm.xlane v16, v3;
	v17 =	vld [tilespmem:s15+$0x30]  }
.LBB2_14:
0xfa: {  	v20 =	vld [tilespmem:s19+$0xFFFFFFC0];
	s18 =	sadd.s32 $0x8, s18;
	s15 =	sadd.s32 $0x80, s15  }
0xfb: {  	v22 =	vperm.xlane v14, v3;
	v21 =	vld [tilespmem:s15+$0x0];
	p0 =	slt.u32 s18, $0x70;
	v23, _, _ =	vpop (xrf2);
	(xrf2) =	vadd.scan.msk.f32 $0xffff, v19  }
0xfc: {  	vm8 =	vne.s32 v16, v15;
	v19 =	vld [tilespmem:s15+$0xFFFFFFF0]  }
0xfd: {  	vm9 =	vmor vm8, vm0;
	vm7 =	vne.s32 v14, v22;
	[tilespmem:v11+s8+$0x0] =	vst.idx.add.f32.msk vm6, v23  }
0xfe: {  	v16 =	vsub.s32 v16, v5;
	vm10 =	vmor vm7, vm0;
	v11 =	vld [tilespmem:s15+$0x10];
	v24 =	vperm.xlane v17, v3;
	v25, _, _ =	vpop (xrf2);
	(xrf2) =	vadd.scan.msk.f32 $0xffff, v18  }
0xff: {  	v14 =	vsub.s32 v14, v5;
	v18 =	vld [tilespmem:s19+$0xFFFFFFE0]  }
0x100: {  	vm11 =	vmand vm4, vm1;
	v26 =	vld [tilespmem:s19+$0xFFFFFFF0];
	v27 =	vperm.xlane v21, v3;
	vm4 =	vne.s32 v17, v24  }
0x101: {  	s17 =	simm.s32 $0x0;
	v10 =	vsub.s32 v10, v5;
	v28 =	vld [tilespmem:s19+$0x0];
	vm12 =	vmor vm4, vm0;
	v29, _, _ =	vpop (xrf2)  }
0x102: {  	v17 =	vsub.s32 v17, v5;
	v20 =	vld.idx.msk [tilespmem:v20+s17+$0x0], $0xffff;
	vm6 =	vne.s32 v21, v27;
	v30 =	vsub.f32 $0.0e+00, v29  }
0x103: {  	v13 =	vsub.f32 $0.0e+00, v13;
	[tilespmem:v16+s8+$0x0] =	vst.idx.add.f32.msk vm9, v25  }
0x104: {  	vm8 =	vmand vm8, vm1;
	[tilespmem:v14+s8+$0x0] =	vst.idx.add.f32.msk vm10, v29;
	v14 =	vsub.f32 $0.0e+00, v25  }
0x105: {  	v12 =	vsub.f32 $0.0e+00, v12;
	v15 =	vsub.s32 v15, v5;
	vm7 =	vmand vm7, vm1;
	v16 =	vld [tilespmem:s19+$0x10];
	v25, _, _ =	vpop (xrf2)  }
0x106: {  	v22 =	vsub.s32 v22, v5;
	vm9 =	vmor vm5, vm0;
	[tilespmem:v10+s8+$0x0] =	vst.idx.add.f32.msk vm11, v13  }
0x107: {  	vm3 =	vmand vm3, vm1;
	v7 =	vsub.s32 v7, v5;
	v8 =	vsub.s32 v8, v5;
	[tilespmem:v17+s8+$0x0] =	vst.idx.add.f32.msk vm12, v25  }
0x108: {  	vm4 =	vmand vm4, vm1;
	v10 =	vsub.f32 $0.0e+00, v25;
	v17 =	vsub.f32 $0.0e+00, v23;
	v13 =	vld.idx.msk [tilespmem:v26+s17+$0x0], $0xffff;
	v23, _, _ =	vpop (xrf2)  }
0x109: {  	v24 =	vsub.s32 v24, v5;
	vm5 =	vmand vm5, vm1;
	vm10 =	vmand vm2, vm1;
	v25 =	vld.idx.msk [tilespmem:v28+s17+$0x0], $0xffff  }
0x10a: {  	v9 =	vsub.s32 v9, v5;
	[tilespmem:v15+s8+$0x0] =	vst.idx.add.f32.msk vm8, v14;
	v14 =	vsub.s32 v6, v5;
	v15 =	vsub.f32 $0.0e+00, v23  }
0x10b: {  	[tilespmem:v22+s8+$0x0] =	vst.idx.add.f32.msk vm7, v30  }
0x10c: {  	[tilespmem:v8+s8+$0x0] =	vst.idx.add.f32.msk vm9, v23  }
0x10d: {  	v6 =	vperm.xlane v11, v3;
	[tilespmem:v7+s8+$0x0] =	vst.idx.add.f32.msk vm3, v12  }
0x10e: {  	[tilespmem:v24+s8+$0x0] =	vst.idx.add.f32.msk vm4, v10  }
0x10f: {  	vm2 =	vne.s32 v11, v6;
	v10 =	vperm.xlane v19, v3;
	(xrf2) =	vadd.scan.msk.f32 $0xffff, v25;
	[tilespmem:v14+s8+$0x0] =	vst.idx.add.f32.msk vm10, v17  }
0x110: {  	[tilespmem:v9+s8+$0x0] =	vst.idx.add.f32.msk vm5, v15  }
0x111: {  	vm4 =	vne.s32 v19, v10;
	v9 =	vld [tilespmem:s19+$0xFFFFFFD0]  }
0x112: {  	v12 =	vld [tilespmem:s15+$0xFFFFFFC0];
	(xrf2) =	vadd.scan.msk.f32 $0xffff, v13  }
0x113: {  	v13 =	vld.idx.msk [tilespmem:v16+s17+$0x0], $0xffff  }
0x114: {  	vm5 =	vmor vm6, vm0;
	v15 =	vld.idx.msk [tilespmem:v18+s17+$0x0], $0xffff  }
0x115: {  	v16 =	vsub.s32 v21, v5;
	v17 =	vld [tilespmem:s19+$0x30];
	(xrf2) =	vadd.scan.msk.f32 $0xffff, v20  }
0x116: {  	vm7 =	vmand vm6, vm1;
	v18 =	vsub.s32 v27, v5;
	v20 =	vld [tilespmem:s19+$0x20]  }
0x117: {  	vm6 =	vmor vm2, vm0;
	vm8 =	vmor vm4, vm0;
	v7 =	vperm.xlane v12, v3;
	v8 =	vld [tilespmem:s15+$0x20]  }
0x118: {  	v21 =	vsub.s32 v19, v5;
	v14 =	vld [tilespmem:s15+$0xFFFFFFD0]  }
0x119: {  	vm3 =	vne.s32 v12, v7;
	v22 =	vld.idx.msk [tilespmem:v9+s17+$0x0], $0xffff;
	v9, _, _ =	vpop (xrf2);
	(xrf2) =	vadd.scan.msk.f32 $0xffff, v13  }
0x11a: {  	vm9 =	vmor vm3, vm0;
	[tilespmem:v16+s8+$0x0] =	vst.idx.add.f32.msk vm5, v9;
	v9 =	vsub.f32 $0.0e+00, v9  }
0x11b: {  	v23 =	vsub.s32 v12, v5;
	v16 =	vld [tilespmem:s15+$0xFFFFFFE0]  }
0x11c: {  	[tilespmem:v18+s8+$0x0] =	vst.idx.add.f32.msk vm7, v9;
	v9 =	vperm.xlane v8, v3;
	(xrf2) =	vadd.scan.msk.f32 $0xffff, v15;
	v13, _, _ =	vpop (xrf2)  }
.Ltmp12:
0x11d: {  	v19 =	vld.idx.msk [tilespmem:v17+s17+$0x0], $0xffff;
	(pc) =	sbr.rel @p0 .LBB2_14-.Ltmp12, $4  }
0x11e: {  	v18 =	vld.idx.msk [tilespmem:v20+s17+$0x0], $0xffff;
	vm5 =	vne.s32 v8, v9  }
0x11f: {  	[tilespmem:v21+s8+$0x0] =	vst.idx.add.f32.msk vm8, v13;
	v12, _, _ =	vpop (xrf2);
	(xrf2) =	vadd.scan.msk.f32 $0xffff, v22  }
0x120: {  	v11 =	vsub.s32 v11, v5;
	[tilespmem:v23+s8+$0x0] =	vst.idx.add.f32.msk vm9, v12;
	v15 =	vperm.xlane v16, v3  }
0x121: {  	s19 =	sadd.s32 $0x80, s19;
	v17 =	vld [tilespmem:s15+$0x30]  }
0x122: {  	v20 =	vperm.xlane v14, v3;
	vm4 =	vmand vm4, vm1  }
0x123: {  	(xrf2) =	vadd.scan.msk.f32 $0xffff, v19;
	vm7 =	vne.s32 v16, v15;
	v10 =	vsub.s32 v10, v5;
	vm3 =	vmand vm3, vm1  }
0x124: {  	v49 =	vsub.s32 v16, v5;
	v7 =	vsub.s32 v7, v5;
	vm2 =	vmand vm2, vm1;
	(xrf2) =	vadd.scan.msk.f32 $0xffff, v18  }
0x125: {  	v53 =	vsub.s32 v15, v5;
	v6 =	vsub.s32 v6, v5;
	vm9 =	vmor vm7, vm0  }
0x126: {  	v13 =	vsub.f32 $0.0e+00, v13;
	v51, _, _ =	vpop (xrf2);
	vm7 =	vmand vm7, vm1;
	vm8 =	vne.s32 v14, v20  }
0x127: {  	v60 =	vsub.f32 $0.0e+00, v12;
	[tilespmem:v11+s8+$0x0] =	vst.idx.add.f32.msk vm6, v51;
	vm10 =	vmor vm8, vm0;
	v48 =	vperm.xlane v17, v3  }
0x128: {  	v50 =	vsub.s32 v14, v5;
	v63 =	vsub.f32 $0.0e+00, v51;
	vm6 =	vmand vm8, vm1;
	[tilespmem:v10+s8+$0x0] =	vst.idx.add.f32.msk vm4, v13  }
0x129: {  	vm13 =	vmor vm5, vm0;
	v55 =	vsub.s32 v20, v5;
	v21, _, _ =	vpop (xrf2);
	vm11 =	vne.s32 v17, v48;
	[tilespmem:v7+s8+$0x0] =	vst.idx.add.f32.msk vm3, v60  }
0x12a: {  	v8 =	vsub.s32 v8, v5;
	v56 =	vsub.f32 $0.0e+00, v21;
	[tilespmem:v6+s8+$0x0] =	vst.idx.add.f32.msk vm2, v63;
	vm12 =	vmor vm11, vm0  }
0x12b: {  	v52 =	vsub.s32 v17, v5;
	v54, _, _ =	vpop (xrf2);
	[tilespmem:v49+s8+$0x0] =	vst.idx.add.f32.msk vm9, v21;
	vm14 =	vmand vm11, vm1  }
0x12c: {  	vm15 =	vmand vm5, vm1;
	v59 =	vsub.s32 v48, v5;
	v58 =	vsub.f32 $0.0e+00, v54;
	[tilespmem:v53+s8+$0x0] =	vst.idx.add.f32.msk vm7, v56  }
0x12d: {  	v9 =	vsub.s32 v9, v5;
	[tilespmem:v50+s8+$0x0] =	vst.idx.add.f32.msk vm10, v54;
	v57, _, _ =	vpop (xrf2)  }
0x12e: {  	[tilespmem:v55+s8+$0x0] =	vst.idx.add.f32.msk vm6, v58;
	v61, _, _ =	vpop (xrf2)  }
0x12f: {  	v62 =	vsub.f32 $0.0e+00, v57;
	[tilespmem:v8+s8+$0x0] =	vst.idx.add.f32.msk vm13, v61  }
0x130: {  	v7 =	vsub.f32 $0.0e+00, v61;
	[tilespmem:v52+s8+$0x0] =	vst.idx.add.f32.msk vm12, v57  }
0x131: {  	[tilespmem:v59+s8+$0x0] =	vst.idx.add.f32.msk vm14, v62  }
0x132: {  	[tilespmem:v9+s8+$0x0] =	vst.idx.add.f32.msk vm15, v7  }
.LBB2_16:
0x133: {  	s15 =	sshra.s32 s17, $0x2  }
0x134: {  	v6 =	vld [tilespmem:s15+$0x18E80];
	_ =	sdelay $0x7  }
0x135: {  	v6 =	vld.idx.msk [tilespmem:v6+s6+$0x0], $0xffff;
	_ =	sdelay $0x2  }
0x136: {  	v7 =	vld [tilespmem:s15+$0x19E80];
	_ =	sdelay $0x1  }
0x137: {  	(xrf2) =	vadd.scan.msk.f32 $0xffff, v6;
	_ =	sdelay $0x2  }
0x138: {  	v6 =	vperm.xlane v7, v0;
	_ =	sdelay $0x1  }
0x139: {  	vm2 =	vne.s32 v7, v6  }
0x13a: {  	vm3 =	vmor vm2, vm0  }
0x13b: {  	v7 =	vsub.s32 v7, v5;
	vm2 =	vmand vm2, vm1  }
0x13c: {  	p0 =	seq.s32 s17, $0x100;
	v6 =	vsub.s32 v6, v5  }
.Ltmp13:
0x13d: {  	_ = 	snop;
	(pc) =	sbr.rel @!p0 .LBB2_16-.Ltmp13, $4  }
0x13e: {  	v8, _, _ =	vpop (xrf2)  }
0x13f: {  	v9 =	vsub.f32 $0.0e+00, v8  }
0x140: {  	[tilespmem:v7+s8+$0x0] =	vst.idx.add.f32.msk vm3, v8  }
0x141: {  	s17 =	sadd.s32 $0x40, s17;
	[tilespmem:v6+s8+$0x0] =	vst.idx.add.f32.msk vm2, v9  }
.Ltmp14:
0x142: {  	_ = 	snop;
	(pc) =	sbr.rel .LBB2_26-.Ltmp14, $1  }
0x143: {  	_ =	sdelay $0x3  }
.LBB2_17:
0x144: {  	s13 =	simm.s32 $0x0  }
0x145: {  	v5 =	vld [tilespmem:s13+$0x18700];
	_ =	sdelay $0x1  }
0x146: {  	v6 =	vld [tilespmem:s13+$0x19700];
	_ =	sdelay $0x4  }
0x147: {  	s15 =	simm.s32 $0x40;
	[tilespmem:s13+$0x1E100] =	vst v6  }
.LBB2_18:
0x148: {  	s16 =	sshra.s32 s15, $0x2;
	p0 =	sne.s32 s15, $0x7C0;
	v6 =	vld.idx.msk [tilespmem:v5+s6+$0x0], $0xffff  }
0x149: {  	v5 =	vld [tilespmem:s16+$0x18700];
	_ =	sdelay $0x1  }
0x14a: {  	v7 =	vld [tilespmem:s16+$0x19700]  }
.Ltmp15:
0x14b: {  	(pc) =	sbr.rel @p0 .LBB2_18-.Ltmp15, $3  }
0x14c: {  	_ = 	snop  }
0x14d: {  	[tilespmem:s13+$0x1E300] =	vst v6;
	s13 =	smov.u32 s16;
	_ =	sdelay $0x1  }
0x14e: {  	s15 =	sadd.s32 $0x40, s15;
	[tilespmem:s13+$0x1E100] =	vst v7  }
0x14f: {  	_ =	sdelay $0x3  }
0x150: {  	v5 =	vld.idx.msk [tilespmem:v5+s6+$0x0], $0xffff;
	_ =	sdelay $0x4  }
0x151: {  	[tilespmem:s13+$0x1E300] =	vst v5  }
0x152: {  	[spmem:s5] =	stream.indirect.scatter.add.f32 [tilespmem:s30], [sflag:$0x5], $0x1, s28, s26, $0xb8;
	[tilespmem:$0x1FD70] =	vst v63  }
0x153: {  	_ =	swait.ge [sflag:s29], $0x200  }
0x154: {  	[sflag:s29] =	ssyncset.done $0x0  }
0x155: {  	s13 =	simm.s32 $0x0;
	[sflag:s29] =	ssyncadd.s32 $0xFFFFFE00  }
0x156: {  	v5 =	vld [tilespmem:s13+$0x18900];
	_ =	sdelay $0x1  }
0x157: {  	v6 =	vld [tilespmem:s13+$0x19900];
	_ =	sdelay $0x4  }
0x158: {  	s15 =	simm.s32 $0x40;
	[tilespmem:s13+$0x1E100] =	vst v6  }
.LBB2_20:
0x159: {  	s16 =	sshra.s32 s15, $0x2;
	p0 =	sne.s32 s15, $0x7C0;
	v6 =	vld.idx.msk [tilespmem:v5+s6+$0x0], $0xffff  }
0x15a: {  	v5 =	vld [tilespmem:s16+$0x18900];
	_ =	sdelay $0x1  }
0x15b: {  	v7 =	vld [tilespmem:s16+$0x19900]  }
.Ltmp16:
0x15c: {  	(pc) =	sbr.rel @p0 .LBB2_20-.Ltmp16, $3  }
0x15d: {  	_ = 	snop  }
0x15e: {  	[tilespmem:s13+$0x1E300] =	vst v6;
	s13 =	smov.u32 s16;
	_ =	sdelay $0x1  }
0x15f: {  	s15 =	sadd.s32 $0x40, s15;
	[tilespmem:s13+$0x1E100] =	vst v7  }
0x160: {  	_ =	sdelay $0x3  }
0x161: {  	v5 =	vld.idx.msk [tilespmem:v5+s6+$0x0], $0xffff;
	_ =	sdelay $0x4  }
0x162: {  	[tilespmem:s13+$0x1E300] =	vst v5  }
0x163: {  	[spmem:s5] =	stream.indirect.scatter.add.f32 [tilespmem:s30], [sflag:$0x5], $0x1, s28, s26, $0xb8;
	[tilespmem:$0x1FD70] =	vst v63  }
0x164: {  	_ =	swait.ge [sflag:s29], $0x200  }
0x165: {  	[sflag:s29] =	ssyncset.done $0x0  }
0x166: {  	s13 =	simm.s32 $0x0;
	[sflag:s29] =	ssyncadd.s32 $0xFFFFFE00  }
0x167: {  	v5 =	vld [tilespmem:s13+$0x18B00];
	_ =	sdelay $0x1  }
0x168: {  	v6 =	vld [tilespmem:s13+$0x19B00];
	_ =	sdelay $0x4  }
0x169: {  	s15 =	simm.s32 $0x40;
	[tilespmem:s13+$0x1E100] =	vst v6  }
.LBB2_22:
0x16a: {  	s16 =	sshra.s32 s15, $0x2;
	p0 =	sne.s32 s15, $0x7C0;
	v6 =	vld.idx.msk [tilespmem:v5+s6+$0x0], $0xffff  }
0x16b: {  	v5 =	vld [tilespmem:s16+$0x18B00];
	_ =	sdelay $0x1  }
0x16c: {  	v7 =	vld [tilespmem:s16+$0x19B00]  }
.Ltmp17:
0x16d: {  	(pc) =	sbr.rel @p0 .LBB2_22-.Ltmp17, $3  }
0x16e: {  	_ = 	snop  }
0x16f: {  	[tilespmem:s13+$0x1E300] =	vst v6;
	s13 =	smov.u32 s16;
	_ =	sdelay $0x1  }
0x170: {  	s15 =	sadd.s32 $0x40, s15;
	[tilespmem:s13+$0x1E100] =	vst v7  }
0x171: {  	_ =	sdelay $0x3  }
0x172: {  	v5 =	vld.idx.msk [tilespmem:v5+s6+$0x0], $0xffff;
	_ =	sdelay $0x4  }
0x173: {  	[tilespmem:s13+$0x1E300] =	vst v5  }
0x174: {  	[spmem:s5] =	stream.indirect.scatter.add.f32 [tilespmem:s30], [sflag:$0x5], $0x1, s28, s26, $0xb8;
	[tilespmem:$0x1FD70] =	vst v63  }
0x175: {  	_ =	swait.ge [sflag:s29], $0x200  }
0x176: {  	[sflag:s29] =	ssyncset.done $0x0  }
0x177: {  	s13 =	simm.s32 $0x0;
	[sflag:s29] =	ssyncadd.s32 $0xFFFFFE00  }
0x178: {  	v5 =	vld [tilespmem:s13+$0x18D00];
	_ =	sdelay $0x1  }
0x179: {  	v6 =	vld [tilespmem:s13+$0x19D00];
	_ =	sdelay $0x4  }
0x17a: {  	s15 =	simm.s32 $0x40;
	[tilespmem:s13+$0x1E100] =	vst v6  }
.LBB2_24:
0x17b: {  	s16 =	sshra.s32 s15, $0x2;
	p0 =	sne.s32 s15, $0x700;
	v6 =	vld.idx.msk [tilespmem:v5+s6+$0x0], $0xffff  }
0x17c: {  	v5 =	vld [tilespmem:s16+$0x18D00];
	_ =	sdelay $0x1  }
0x17d: {  	v7 =	vld [tilespmem:s16+$0x19D00]  }
.Ltmp18:
0x17e: {  	(pc) =	sbr.rel @p0 .LBB2_24-.Ltmp18, $3  }
0x17f: {  	_ = 	snop  }
0x180: {  	[tilespmem:s13+$0x1E300] =	vst v6;
	s13 =	smov.u32 s16;
	_ =	sdelay $0x1  }
0x181: {  	s15 =	sadd.s32 $0x40, s15;
	[tilespmem:s13+$0x1E100] =	vst v7  }
0x182: {  	_ =	sdelay $0x3  }
0x183: {  	v5 =	vld.idx.msk [tilespmem:v5+s6+$0x0], $0xffff;
	_ =	sdelay $0x4  }
0x184: {  	[tilespmem:s13+$0x1E300] =	vst v5  }
0x185: {  	[tilespmem:$0x1E2D0] =	vst v4  }
0x186: {  	[tilespmem:$0x1E4D0] =	vst v2  }
0x187: {  	[tilespmem:$0x1E2E0] =	vst v4  }
0x188: {  	[tilespmem:$0x1E4E0] =	vst v2  }
0x189: {  	[tilespmem:$0x1E2F0] =	vst v4  }
0x18a: {  	[tilespmem:$0x1E4F0] =	vst v2  }
0x18b: {  	[spmem:s5] =	stream.indirect.scatter.add.f32 [tilespmem:s30], [sflag:$0x5], $0x1, s28, s26, $0xb8;
	[tilespmem:$0x1FD70] =	vst v63  }
0x18c: {  	_ =	swait.ge [sflag:s29], $0x200  }
0x18d: {  	[sflag:s29] =	ssyncset.done $0x0  }
0x18e: {  	s16 =	simm.s32 $0x0;
	s13 =	simm.s32 $0xFFFFFFFF;
	[sflag:s29] =	ssyncadd.s32 $0xFFFFFE00  }
.LBB2_26:
0x18f: {  	_ =	swait.ge [sflag:s9], $0x7D0  }
0x190: {  	[sflag:s9] =	ssyncset.done $0x0  }
0x191: {  	p0 =	seq.s32 s12, $0x31;
	[sflag:s9] =	ssyncadd.s32 $0xFFFFF830  }
0x192: {  	s14 =	sadd.s32 @!p0 s14, s23;
	_ =	swait.ge [sflag:s10], $0x7D0  }
0x193: {  	s17 =	simm.s32 @!p0 $0x0;
	s14 =	sshrl.u32 @!p0 s14, $0x3;
	[sflag:s10] =	ssyncset.done $0x0  }
0x194: {  	s18 =	simm.s32 @!p0 $0x18700;
	s15 =	sadd.s32 @!p0 s2, s14;
	[sflag:s10] =	ssyncadd.s32 $0xFFFFF830  }
0x195: {  	[tilespmem:s18], [sflag:$0x1] =	stream.linear.gather @!p0 [hbm4b:s15+s17], $0x7D0, $0x38;
	[tilespmem:$0x1FD70] =	vst v63  }
0x196: {  	s14 =	sadd.s32 @!p0 s3, s14;
	s15 =	simm.s32 @!p0 $0x19700  }
0x197: {  	[tilespmem:s15], [sflag:$0x3] =	stream.linear.gather @!p0 [hbm4b:s14+s17], $0x7D0, $0x38;
	[tilespmem:$0x1FD70] =	vst v63  }
0x198: {  	v5 =	vld [tilespmem:$0x19F00]  }
0x199: {  	v6 =	vld [tilespmem:$0x1A6C0];
	_ =	sdelay $0x3  }
0x19a: {  	(v2sf) =	vpush v5, $0x0  }
0x19b: {  	(v2sf) =	vpush v6, $0xF;
	_ =	sdelay $0xd  }
0x19c: {  	s14 =	spop (v2sf)  }
0x19d: {  	s25 =	spop (v2sf)  }
0x19e: {  	s15 =	sadd.s32 $0x1, s25  }
0x19f: {  	p0 =	slt.s32 s13, $0x0;
	s17 =	ssub.s32 s15, s13  }
0x1a0: {  	p1 =	slt.s32 @!p0 s17, $0x3801  }
0x1a1: {  	p1 =	por p0, p1  }
0x1a2: {  	s16 =	ssub.s32 @!p1 s16, s13  }
0x1a3: {  	s16 =	sadd.s32 @!p1 $0x1FF, s16  }
0x1a4: {  	s18 =	sand.u32 @!p1 $0x1FF, s16  }
0x1a5: {  	p2 =	slt.s32 @!p1 s16, $0x1;
	p3 =	sne.s32 @!p1 s18, $0x0  }
0x1a6: {  	s18 =	sshra.s32 @!p1 s16, $0x1F;
	p2 =	por @!p1 !p2, !p3  }
0x1a7: {  	s18 =	sshrl.u32 @!p1 s18, $0x17;
	p2 =	por @!p1 !p2, !p2  }
0x1a8: {  	s16 =	sadd.s32 @!p1 s18, s16;
	s18 =	simm.s32 @!p1 $0x1;
	p2 =	por !p2, p1  }
0x1a9: {  	s16 =	sshra.s32 @!p1 s16, $0x9;
	s18 =	simm.s32 @p2 $0x0  }
0x1aa: {  	s16 =	ssub.s32 @!p1 s16, s18  }
0x1ab: {  	p2 =	slt.s32 @!p1 s16, $0x1  }
0x1ac: {  	p2 =	por p1, p2  }
.Ltmp19:
0x1ad: {  	_ = 	snop;
	(pc) =	sbr.rel @p2 .LBB2_32-.Ltmp19, $2  }
0x1ae: {  	_ =	sdelay $0x2  }
0x1af: {  	s18 =	simm.s32 @!p1 $0x0  }
.LBB2_27:
0x1b0: {  	s19 =	sshll.u32 s18, $0x9  }
0x1b1: {  	s20 =	simm.s32 $0x0;
	s21 =	sadd.s32 s13, s19  }
0x1b2: {  	v6 =	vld [tilespmem:s20+$0x1DF00];
	v5 =	vmov s21;
	s21 =	simm.s32 $0x40  }
.LBB2_28:
0x1b3: {  	_ =	sdelay $0x1  }
0x1b4: {  	p1 =	sne.s32 s21, $0x7C0  }
.Ltmp20:
0x1b5: {  	_ = 	snop;
	(pc) =	sbr.rel @p1 .LBB2_28-.Ltmp20, $4  }
0x1b6: {  	v7 =	vadd.s32 v5, v6  }
0x1b7: {  	vm2 =	vlt.s32 v7, $0x186FF  }
0x1b8: {  	s24 =	sshra.s32 s21, $0x2;
	v7 =	vnsel vm2, $0x186FF, v7  }
0x1b9: {  	s21 =	sadd.s32 $0x40, s21;
	v6 =	vld [tilespmem:s24+$0x1DF00];
	[tilespmem:s20+$0x1E100] =	vst v7;
	s20 =	smov.u32 s24  }
0x1ba: {  	_ =	sdelay $0x3  }
0x1bb: {  	v5 =	vadd.s32 v5, v6  }
0x1bc: {  	s18 =	sadd.s32 $0x1, s18;
	vm2 =	vlt.s32 v5, $0x186FF  }
0x1bd: {  	p1 =	sne.s32 s18, s16;
	v5 =	vnsel vm2, $0x186FF, v5  }
.Ltmp21:
0x1be: {  	s19 =	sadd.s32 $0x1A700, s19;
	[tilespmem:s20+$0x1E100] =	vst v5;
	(pc) =	sbr.rel @p1 .LBB2_27-.Ltmp21, $4  }
0x1bf: {  	[spmem:s5] =	stream.indirect.scatter.add.f32 [tilespmem:s19], [sflag:$0x5], $0x1, s28, s26, $0xb8;
	[tilespmem:$0x1FD70] =	vst v63  }
0x1c0: {  	_ =	swait.ge [sflag:s29], $0x200  }
0x1c1: {  	[sflag:s29] =	ssyncset.done $0x0  }
0x1c2: {  	[sflag:s29] =	ssyncadd.s32 $0xFFFFFE00  }
0x1c3: {  	s18 =	sshll.u32 s16, $0x5  }
0x1c4: {  	p1 =	sne.s32 s18, $0x1  }
.Ltmp22:
0x1c5: {  	_ = 	snop;
	(pc) =	sbr.rel @!p1 .LBB2_32-.Ltmp22, $3  }
0x1c6: {  	_ =	sdelay $0x1  }
0x1c7: {  	s16 =	simm.s32 $0x1A700  }
0x1c8: {  	s18 =	sadd.s32 $0xFFFFFFFF, s18;
	[tilespmem:s16+$0x0] =	vst v2  }
.LBB2_31:
0x1c9: {  	p1 =	sne.s32 s18, $0x1  }
.Ltmp23:
0x1ca: {  	_ = 	snop;
	(pc) =	sbr.rel @p1 .LBB2_31-.Ltmp23, $3  }
0x1cb: {  	_ =	sdelay $0x1  }
0x1cc: {  	s18 =	sadd.s32 $0xFFFFFFFF, s18;
	s16 =	sadd.s32 $0x10, s16  }
0x1cd: {  	[tilespmem:s16+$0x0] =	vst v2  }
.LBB2_32:
0x1ce: {  	p1 =	sgt.s32 s17, $0x3800  }
0x1cf: {  	p0 =	por p0, p1  }
0x1d0: {  	s13 =	smov.u32 @p0 s14  }
0x1d1: {  	s14 =	ssub.s32 s15, s13  }
0x1d2: {  	p0 =	sgt.s32 s14, $0x3800  }
.Ltmp24:
0x1d3: {  	_ = 	snop;
	(pc) =	sbr.rel @p0 .LBB2_37-.Ltmp24, $2  }
0x1d4: {  	_ =	sdelay $0x2  }
0x1d5: {  	s16 =	simm.s32 $0x0  }
0x1d6: {  	s17 =	simm.s32 $0x18F40  }
0x1d7: {  	v5 =	vld [tilespmem:s17+$0x0];
	_ =	sdelay $0x2  }
0x1d8: {  	v6 =	vld [tilespmem:s17+$0xFFFFFFF0];
	_ =	sdelay $0x2  }
0x1d9: {  	s14 =	simm.s32 $0x19F40;
	v7 =	vld [tilespmem:s17+$0xFFFFFFC0]  }
0x1da: {  	v8 =	vld [tilespmem:s14+$0x0]  }
0x1db: {  	v5 =	vld.idx.msk [tilespmem:v5+s16+$0x0], $0xffff  }
0x1dc: {  	v9 =	vld [tilespmem:s17+$0x10]  }
0x1dd: {  	v10 =	vld [tilespmem:s17+$0xFFFFFFE0]  }
0x1de: {  	v6 =	vld.idx.msk [tilespmem:v6+s16+$0x0], $0xffff  }
0x1df: {  	v11 =	vld [tilespmem:s14+$0xFFFFFFF0]  }
0x1e0: {  	v13 =	vld [tilespmem:s17+$0xFFFFFFD0];
	(xrf2) =	vadd.scan.msk.f32 $0xffff, v5  }
0x1e1: {  	v7 =	vld.idx.msk [tilespmem:v7+s16+$0x0], $0xffff  }
0x1e2: {  	v17 =	vld [tilespmem:s14+$0x10];
	v12 =	vperm.xlane v8, v3  }
0x1e3: {  	v15 =	vld [tilespmem:s14+$0xFFFFFFC0];
	(xrf2) =	vadd.scan.msk.f32 $0xffff, v6  }
0x1e4: {  	v18 =	vld [tilespmem:s17+$0x30];
	vm2 =	vne.s32 v8, v12  }
0x1e5: {  	v9 =	vld.idx.msk [tilespmem:v9+s16+$0x0], $0xffff;
	vm5 =	vmor vm2, vm0;
	v5 =	vmov s13  }
0x1e6: {  	v21 =	vld [tilespmem:s17+$0x20];
	v6 =	vsub.s32 v8, v5;
	(xrf2) =	vadd.scan.msk.f32 $0xffff, v7  }
0x1e7: {  	v20 =	vld.idx.msk [tilespmem:v10+s16+$0x0], $0xffff;
	v10 =	vperm.xlane v11, v3;
	vm2 =	vmand vm2, vm1  }
0x1e8: {  	v14 =	vld [tilespmem:s14+$0xFFFFFFD0];
	v12 =	vsub.s32 v12, v5;
	v7 =	vperm.xlane v15, v3  }
0x1e9: {  	v22 =	vld.idx.msk [tilespmem:v13+s16+$0x0], $0xffff;
	vm4 =	vne.s32 v11, v10  }
0x1ea: {  	vm6 =	vmor vm4, vm0;
	v8 =	vld [tilespmem:s14+$0x20];
	(xrf2) =	vadd.scan.msk.f32 $0xffff, v9;
	vm3 =	vne.s32 v15, v7;
	v13, _, _ =	vpop (xrf2)  }
0x1eb: {  	v11 =	vsub.s32 v11, v5;
	vm7 =	vmor vm3, vm0;
	[tilespmem:v6+s8+$0x0] =	vst.idx.add.f32.msk vm5, v13;
	v6 =	vsub.f32 $0.0e+00, v13  }
0x1ec: {  	v16 =	vld [tilespmem:s14+$0xFFFFFFE0];
	v15 =	vsub.s32 v15, v5  }
0x1ed: {  	v13, _, _ =	vpop (xrf2);
	(xrf2) =	vadd.scan.msk.f32 $0xffff, v20;
	[tilespmem:v12+s8+$0x0] =	vst.idx.add.f32.msk vm2, v6;
	v6 =	vperm.xlane v17, v3  }
0x1ee: {  	v19 =	vld.idx.msk [tilespmem:v18+s16+$0x0], $0xffff  }
0x1ef: {  	v18 =	vld.idx.msk [tilespmem:v21+s16+$0x0], $0xffff;
	vm2 =	vne.s32 v17, v6  }
0x1f0: {  	v9 =	vperm.xlane v8, v3;
	[tilespmem:v11+s8+$0x0] =	vst.idx.add.f32.msk vm6, v13;
	(xrf2) =	vadd.scan.msk.f32 $0xffff, v22;
	v12, _, _ =	vpop (xrf2);
	vm6 =	vmor vm2, vm0  }
0x1f1: {  	v11 =	vsub.s32 v17, v5;
	[tilespmem:v15+s8+$0x0] =	vst.idx.add.f32.msk vm7, v12  }
0x1f2: {  	s18 =	simm.s32 $0x18FC0;
	s17 =	simm.s32 $0x0;
	vm5 =	vne.s32 v8, v9;
	v15 =	vperm.xlane v16, v3;
	v17 =	vld [tilespmem:s14+$0x30]  }
.LBB2_34:
0x1f3: {  	v20 =	vld [tilespmem:s18+$0xFFFFFFC0];
	s17 =	sadd.s32 $0x8, s17;
	s14 =	sadd.s32 $0x80, s14  }
0x1f4: {  	v22 =	vperm.xlane v14, v3;
	v21 =	vld [tilespmem:s14+$0x0];
	p0 =	slt.u32 s17, $0x70;
	v23, _, _ =	vpop (xrf2);
	(xrf2) =	vadd.scan.msk.f32 $0xffff, v19  }
0x1f5: {  	vm8 =	vne.s32 v16, v15;
	v19 =	vld [tilespmem:s14+$0xFFFFFFF0]  }
0x1f6: {  	vm9 =	vmor vm8, vm0;
	vm7 =	vne.s32 v14, v22;
	[tilespmem:v11+s8+$0x0] =	vst.idx.add.f32.msk vm6, v23  }
0x1f7: {  	v16 =	vsub.s32 v16, v5;
	vm10 =	vmor vm7, vm0;
	v11 =	vld [tilespmem:s14+$0x10];
	v24 =	vperm.xlane v17, v3;
	v25, _, _ =	vpop (xrf2);
	(xrf2) =	vadd.scan.msk.f32 $0xffff, v18  }
0x1f8: {  	v14 =	vsub.s32 v14, v5;
	v18 =	vld [tilespmem:s18+$0xFFFFFFE0]  }
0x1f9: {  	vm11 =	vmand vm4, vm1;
	v26 =	vld [tilespmem:s18+$0xFFFFFFF0];
	v27 =	vperm.xlane v21, v3;
	vm4 =	vne.s32 v17, v24  }
0x1fa: {  	s16 =	simm.s32 $0x0;
	v10 =	vsub.s32 v10, v5;
	v28 =	vld [tilespmem:s18+$0x0];
	vm12 =	vmor vm4, vm0;
	v29, _, _ =	vpop (xrf2)  }
0x1fb: {  	v17 =	vsub.s32 v17, v5;
	v20 =	vld.idx.msk [tilespmem:v20+s16+$0x0], $0xffff;
	vm6 =	vne.s32 v21, v27;
	v30 =	vsub.f32 $0.0e+00, v29  }
0x1fc: {  	v13 =	vsub.f32 $0.0e+00, v13;
	[tilespmem:v16+s8+$0x0] =	vst.idx.add.f32.msk vm9, v25  }
0x1fd: {  	vm8 =	vmand vm8, vm1;
	[tilespmem:v14+s8+$0x0] =	vst.idx.add.f32.msk vm10, v29;
	v14 =	vsub.f32 $0.0e+00, v25  }
0x1fe: {  	v12 =	vsub.f32 $0.0e+00, v12;
	v15 =	vsub.s32 v15, v5;
	vm7 =	vmand vm7, vm1;
	v16 =	vld [tilespmem:s18+$0x10];
	v25, _, _ =	vpop (xrf2)  }
0x1ff: {  	v22 =	vsub.s32 v22, v5;
	vm9 =	vmor vm5, vm0;
	[tilespmem:v10+s8+$0x0] =	vst.idx.add.f32.msk vm11, v13  }
0x200: {  	vm3 =	vmand vm3, vm1;
	v7 =	vsub.s32 v7, v5;
	v8 =	vsub.s32 v8, v5;
	[tilespmem:v17+s8+$0x0] =	vst.idx.add.f32.msk vm12, v25  }
0x201: {  	vm4 =	vmand vm4, vm1;
	v10 =	vsub.f32 $0.0e+00, v25;
	v17 =	vsub.f32 $0.0e+00, v23;
	v13 =	vld.idx.msk [tilespmem:v26+s16+$0x0], $0xffff;
	v23, _, _ =	vpop (xrf2)  }
0x202: {  	v24 =	vsub.s32 v24, v5;
	vm5 =	vmand vm5, vm1;
	vm10 =	vmand vm2, vm1;
	v25 =	vld.idx.msk [tilespmem:v28+s16+$0x0], $0xffff  }
0x203: {  	v9 =	vsub.s32 v9, v5;
	[tilespmem:v15+s8+$0x0] =	vst.idx.add.f32.msk vm8, v14;
	v14 =	vsub.s32 v6, v5;
	v15 =	vsub.f32 $0.0e+00, v23  }
0x204: {  	[tilespmem:v22+s8+$0x0] =	vst.idx.add.f32.msk vm7, v30  }
0x205: {  	[tilespmem:v8+s8+$0x0] =	vst.idx.add.f32.msk vm9, v23  }
0x206: {  	v6 =	vperm.xlane v11, v3;
	[tilespmem:v7+s8+$0x0] =	vst.idx.add.f32.msk vm3, v12  }
0x207: {  	[tilespmem:v24+s8+$0x0] =	vst.idx.add.f32.msk vm4, v10  }
0x208: {  	vm2 =	vne.s32 v11, v6;
	v10 =	vperm.xlane v19, v3;
	(xrf2) =	vadd.scan.msk.f32 $0xffff, v25;
	[tilespmem:v14+s8+$0x0] =	vst.idx.add.f32.msk vm10, v17  }
0x209: {  	[tilespmem:v9+s8+$0x0] =	vst.idx.add.f32.msk vm5, v15  }
0x20a: {  	vm4 =	vne.s32 v19, v10;
	v9 =	vld [tilespmem:s18+$0xFFFFFFD0]  }
0x20b: {  	v12 =	vld [tilespmem:s14+$0xFFFFFFC0];
	(xrf2) =	vadd.scan.msk.f32 $0xffff, v13  }
0x20c: {  	v13 =	vld.idx.msk [tilespmem:v16+s16+$0x0], $0xffff  }
0x20d: {  	vm5 =	vmor vm6, vm0;
	v15 =	vld.idx.msk [tilespmem:v18+s16+$0x0], $0xffff  }
0x20e: {  	v16 =	vsub.s32 v21, v5;
	v17 =	vld [tilespmem:s18+$0x30];
	(xrf2) =	vadd.scan.msk.f32 $0xffff, v20  }
0x20f: {  	vm7 =	vmand vm6, vm1;
	v18 =	vsub.s32 v27, v5;
	v20 =	vld [tilespmem:s18+$0x20]  }
0x210: {  	vm6 =	vmor vm2, vm0;
	vm8 =	vmor vm4, vm0;
	v7 =	vperm.xlane v12, v3;
	v8 =	vld [tilespmem:s14+$0x20]  }
0x211: {  	v21 =	vsub.s32 v19, v5;
	v14 =	vld [tilespmem:s14+$0xFFFFFFD0]  }
0x212: {  	vm3 =	vne.s32 v12, v7;
	v22 =	vld.idx.msk [tilespmem:v9+s16+$0x0], $0xffff;
	v9, _, _ =	vpop (xrf2);
	(xrf2) =	vadd.scan.msk.f32 $0xffff, v13  }
0x213: {  	vm9 =	vmor vm3, vm0;
	[tilespmem:v16+s8+$0x0] =	vst.idx.add.f32.msk vm5, v9;
	v9 =	vsub.f32 $0.0e+00, v9  }
0x214: {  	v23 =	vsub.s32 v12, v5;
	v16 =	vld [tilespmem:s14+$0xFFFFFFE0]  }
0x215: {  	[tilespmem:v18+s8+$0x0] =	vst.idx.add.f32.msk vm7, v9;
	v9 =	vperm.xlane v8, v3;
	(xrf2) =	vadd.scan.msk.f32 $0xffff, v15;
	v13, _, _ =	vpop (xrf2)  }
.Ltmp25:
0x216: {  	v19 =	vld.idx.msk [tilespmem:v17+s16+$0x0], $0xffff;
	(pc) =	sbr.rel @p0 .LBB2_34-.Ltmp25, $4  }
0x217: {  	v18 =	vld.idx.msk [tilespmem:v20+s16+$0x0], $0xffff;
	vm5 =	vne.s32 v8, v9  }
0x218: {  	[tilespmem:v21+s8+$0x0] =	vst.idx.add.f32.msk vm8, v13;
	v12, _, _ =	vpop (xrf2);
	(xrf2) =	vadd.scan.msk.f32 $0xffff, v22  }
0x219: {  	v11 =	vsub.s32 v11, v5;
	[tilespmem:v23+s8+$0x0] =	vst.idx.add.f32.msk vm9, v12;
	v15 =	vperm.xlane v16, v3  }
0x21a: {  	s18 =	sadd.s32 $0x80, s18;
	v17 =	vld [tilespmem:s14+$0x30]  }
0x21b: {  	v20 =	vperm.xlane v14, v3;
	vm4 =	vmand vm4, vm1  }
0x21c: {  	(xrf2) =	vadd.scan.msk.f32 $0xffff, v19;
	vm7 =	vne.s32 v16, v15;
	v10 =	vsub.s32 v10, v5;
	vm3 =	vmand vm3, vm1  }
0x21d: {  	v49 =	vsub.s32 v16, v5;
	v7 =	vsub.s32 v7, v5;
	vm2 =	vmand vm2, vm1;
	(xrf2) =	vadd.scan.msk.f32 $0xffff, v18  }
0x21e: {  	v53 =	vsub.s32 v15, v5;
	v6 =	vsub.s32 v6, v5;
	vm9 =	vmor vm7, vm0  }
0x21f: {  	v13 =	vsub.f32 $0.0e+00, v13;
	v51, _, _ =	vpop (xrf2);
	vm7 =	vmand vm7, vm1;
	vm8 =	vne.s32 v14, v20  }
0x220: {  	v60 =	vsub.f32 $0.0e+00, v12;
	[tilespmem:v11+s8+$0x0] =	vst.idx.add.f32.msk vm6, v51;
	vm10 =	vmor vm8, vm0;
	v48 =	vperm.xlane v17, v3  }
0x221: {  	v50 =	vsub.s32 v14, v5;
	v63 =	vsub.f32 $0.0e+00, v51;
	vm6 =	vmand vm8, vm1;
	[tilespmem:v10+s8+$0x0] =	vst.idx.add.f32.msk vm4, v13  }
0x222: {  	vm13 =	vmor vm5, vm0;
	v55 =	vsub.s32 v20, v5;
	v21, _, _ =	vpop (xrf2);
	vm11 =	vne.s32 v17, v48;
	[tilespmem:v7+s8+$0x0] =	vst.idx.add.f32.msk vm3, v60  }
0x223: {  	v8 =	vsub.s32 v8, v5;
	v56 =	vsub.f32 $0.0e+00, v21;
	[tilespmem:v6+s8+$0x0] =	vst.idx.add.f32.msk vm2, v63;
	vm12 =	vmor vm11, vm0  }
0x224: {  	v52 =	vsub.s32 v17, v5;
	v54, _, _ =	vpop (xrf2);
	[tilespmem:v49+s8+$0x0] =	vst.idx.add.f32.msk vm9, v21;
	vm14 =	vmand vm11, vm1  }
0x225: {  	vm15 =	vmand vm5, vm1;
	v59 =	vsub.s32 v48, v5;
	v58 =	vsub.f32 $0.0e+00, v54;
	[tilespmem:v53+s8+$0x0] =	vst.idx.add.f32.msk vm7, v56  }
0x226: {  	v9 =	vsub.s32 v9, v5;
	[tilespmem:v50+s8+$0x0] =	vst.idx.add.f32.msk vm10, v54;
	v57, _, _ =	vpop (xrf2)  }
0x227: {  	[tilespmem:v55+s8+$0x0] =	vst.idx.add.f32.msk vm6, v58;
	v61, _, _ =	vpop (xrf2)  }
0x228: {  	v62 =	vsub.f32 $0.0e+00, v57;
	[tilespmem:v8+s8+$0x0] =	vst.idx.add.f32.msk vm13, v61  }
0x229: {  	v7 =	vsub.f32 $0.0e+00, v61;
	[tilespmem:v52+s8+$0x0] =	vst.idx.add.f32.msk vm12, v57  }
0x22a: {  	[tilespmem:v59+s8+$0x0] =	vst.idx.add.f32.msk vm14, v62  }
0x22b: {  	[tilespmem:v9+s8+$0x0] =	vst.idx.add.f32.msk vm15, v7  }
.LBB2_36:
0x22c: {  	s14 =	sshra.s32 s16, $0x2  }
0x22d: {  	v6 =	vld [tilespmem:s14+$0x19680];
	_ =	sdelay $0x7  }
0x22e: {  	v6 =	vld.idx.msk [tilespmem:v6+s6+$0x0], $0xffff;
	_ =	sdelay $0x2  }
0x22f: {  	v7 =	vld [tilespmem:s14+$0x1A680];
	_ =	sdelay $0x1  }
0x230: {  	(xrf2) =	vadd.scan.msk.f32 $0xffff, v6;
	_ =	sdelay $0x2  }
0x231: {  	v6 =	vperm.xlane v7, v0;
	_ =	sdelay $0x1  }
0x232: {  	vm2 =	vne.s32 v7, v6  }
0x233: {  	vm3 =	vmor vm2, vm0  }
0x234: {  	v7 =	vsub.s32 v7, v5;
	vm2 =	vmand vm2, vm1  }
0x235: {  	p0 =	seq.s32 s16, $0x100;
	v6 =	vsub.s32 v6, v5  }
.Ltmp26:
0x236: {  	_ = 	snop;
	(pc) =	sbr.rel @!p0 .LBB2_36-.Ltmp26, $4  }
0x237: {  	v8, _, _ =	vpop (xrf2)  }
0x238: {  	v9 =	vsub.f32 $0.0e+00, v8  }
0x239: {  	[tilespmem:v7+s8+$0x0] =	vst.idx.add.f32.msk vm3, v8  }
0x23a: {  	s16 =	sadd.s32 $0x40, s16;
	[tilespmem:v6+s8+$0x0] =	vst.idx.add.f32.msk vm2, v9  }
.Ltmp27:
0x23b: {  	_ = 	snop;
	(pc) =	sbr.rel .LBB2_46-.Ltmp27, $1  }
0x23c: {  	_ =	sdelay $0x3  }
.LBB2_37:
0x23d: {  	s13 =	simm.s32 $0x0  }
0x23e: {  	v5 =	vld [tilespmem:s13+$0x18F00];
	_ =	sdelay $0x1  }
0x23f: {  	v6 =	vld [tilespmem:s13+$0x19F00];
	_ =	sdelay $0x4  }
0x240: {  	s14 =	simm.s32 $0x40;
	[tilespmem:s13+$0x1E100] =	vst v6  }
.LBB2_38:
0x241: {  	s15 =	sshra.s32 s14, $0x2;
	p0 =	sne.s32 s14, $0x7C0;
	v6 =	vld.idx.msk [tilespmem:v5+s6+$0x0], $0xffff  }
0x242: {  	v5 =	vld [tilespmem:s15+$0x18F00];
	_ =	sdelay $0x1  }
0x243: {  	v7 =	vld [tilespmem:s15+$0x19F00]  }
.Ltmp28:
0x244: {  	(pc) =	sbr.rel @p0 .LBB2_38-.Ltmp28, $3  }
0x245: {  	_ = 	snop  }
0x246: {  	[tilespmem:s13+$0x1E300] =	vst v6;
	s13 =	smov.u32 s15;
	_ =	sdelay $0x1  }
0x247: {  	s14 =	sadd.s32 $0x40, s14;
	[tilespmem:s13+$0x1E100] =	vst v7  }
0x248: {  	_ =	sdelay $0x3  }
0x249: {  	v5 =	vld.idx.msk [tilespmem:v5+s6+$0x0], $0xffff;
	_ =	sdelay $0x4  }
0x24a: {  	[tilespmem:s13+$0x1E300] =	vst v5  }
0x24b: {  	[spmem:s5] =	stream.indirect.scatter.add.f32 [tilespmem:s30], [sflag:$0x5], $0x1, s28, s26, $0xb8;
	[tilespmem:$0x1FD70] =	vst v63  }
0x24c: {  	_ =	swait.ge [sflag:s29], $0x200  }
0x24d: {  	[sflag:s29] =	ssyncset.done $0x0  }
0x24e: {  	s13 =	simm.s32 $0x0;
	[sflag:s29] =	ssyncadd.s32 $0xFFFFFE00  }
0x24f: {  	v5 =	vld [tilespmem:s13+$0x19100];
	_ =	sdelay $0x1  }
0x250: {  	v6 =	vld [tilespmem:s13+$0x1A100];
	_ =	sdelay $0x4  }
0x251: {  	s14 =	simm.s32 $0x40;
	[tilespmem:s13+$0x1E100] =	vst v6  }
.LBB2_40:
0x252: {  	s15 =	sshra.s32 s14, $0x2;
	p0 =	sne.s32 s14, $0x7C0;
	v6 =	vld.idx.msk [tilespmem:v5+s6+$0x0], $0xffff  }
0x253: {  	v5 =	vld [tilespmem:s15+$0x19100];
	_ =	sdelay $0x1  }
0x254: {  	v7 =	vld [tilespmem:s15+$0x1A100]  }
.Ltmp29:
0x255: {  	(pc) =	sbr.rel @p0 .LBB2_40-.Ltmp29, $3  }
0x256: {  	_ = 	snop  }
0x257: {  	[tilespmem:s13+$0x1E300] =	vst v6;
	s13 =	smov.u32 s15;
	_ =	sdelay $0x1  }
0x258: {  	s14 =	sadd.s32 $0x40, s14;
	[tilespmem:s13+$0x1E100] =	vst v7  }
0x259: {  	_ =	sdelay $0x3  }
0x25a: {  	v5 =	vld.idx.msk [tilespmem:v5+s6+$0x0], $0xffff;
	_ =	sdelay $0x4  }
0x25b: {  	[tilespmem:s13+$0x1E300] =	vst v5  }
0x25c: {  	[spmem:s5] =	stream.indirect.scatter.add.f32 [tilespmem:s30], [sflag:$0x5], $0x1, s28, s26, $0xb8;
	[tilespmem:$0x1FD70] =	vst v63  }
0x25d: {  	_ =	swait.ge [sflag:s29], $0x200  }
0x25e: {  	[sflag:s29] =	ssyncset.done $0x0  }
0x25f: {  	s13 =	simm.s32 $0x0;
	[sflag:s29] =	ssyncadd.s32 $0xFFFFFE00  }
0x260: {  	v5 =	vld [tilespmem:s13+$0x19300];
	_ =	sdelay $0x1  }
0x261: {  	v6 =	vld [tilespmem:s13+$0x1A300];
	_ =	sdelay $0x4  }
0x262: {  	s14 =	simm.s32 $0x40;
	[tilespmem:s13+$0x1E100] =	vst v6  }
.LBB2_42:
0x263: {  	s15 =	sshra.s32 s14, $0x2;
	p0 =	sne.s32 s14, $0x7C0;
	v6 =	vld.idx.msk [tilespmem:v5+s6+$0x0], $0xffff  }
0x264: {  	v5 =	vld [tilespmem:s15+$0x19300];
	_ =	sdelay $0x1  }
0x265: {  	v7 =	vld [tilespmem:s15+$0x1A300]  }
.Ltmp30:
0x266: {  	(pc) =	sbr.rel @p0 .LBB2_42-.Ltmp30, $3  }
0x267: {  	_ = 	snop  }
0x268: {  	[tilespmem:s13+$0x1E300] =	vst v6;
	s13 =	smov.u32 s15;
	_ =	sdelay $0x1  }
0x269: {  	s14 =	sadd.s32 $0x40, s14;
	[tilespmem:s13+$0x1E100] =	vst v7  }
0x26a: {  	_ =	sdelay $0x3  }
0x26b: {  	v5 =	vld.idx.msk [tilespmem:v5+s6+$0x0], $0xffff;
	_ =	sdelay $0x4  }
0x26c: {  	[tilespmem:s13+$0x1E300] =	vst v5  }
0x26d: {  	[spmem:s5] =	stream.indirect.scatter.add.f32 [tilespmem:s30], [sflag:$0x5], $0x1, s28, s26, $0xb8;
	[tilespmem:$0x1FD70] =	vst v63  }
0x26e: {  	_ =	swait.ge [sflag:s29], $0x200  }
0x26f: {  	[sflag:s29] =	ssyncset.done $0x0  }
0x270: {  	s13 =	simm.s32 $0x0;
	[sflag:s29] =	ssyncadd.s32 $0xFFFFFE00  }
0x271: {  	v5 =	vld [tilespmem:s13+$0x19500];
	_ =	sdelay $0x1  }
0x272: {  	v6 =	vld [tilespmem:s13+$0x1A500];
	_ =	sdelay $0x4  }
0x273: {  	s14 =	simm.s32 $0x40;
	[tilespmem:s13+$0x1E100] =	vst v6  }
.LBB2_44:
0x274: {  	s15 =	sshra.s32 s14, $0x2;
	p0 =	sne.s32 s14, $0x700;
	v6 =	vld.idx.msk [tilespmem:v5+s6+$0x0], $0xffff  }
0x275: {  	v5 =	vld [tilespmem:s15+$0x19500];
	_ =	sdelay $0x1  }
0x276: {  	v7 =	vld [tilespmem:s15+$0x1A500]  }
.Ltmp31:
0x277: {  	(pc) =	sbr.rel @p0 .LBB2_44-.Ltmp31, $3  }
0x278: {  	_ = 	snop  }
0x279: {  	[tilespmem:s13+$0x1E300] =	vst v6;
	s13 =	smov.u32 s15;
	_ =	sdelay $0x1  }
0x27a: {  	s14 =	sadd.s32 $0x40, s14;
	[tilespmem:s13+$0x1E100] =	vst v7  }
0x27b: {  	_ =	sdelay $0x3  }
0x27c: {  	v5 =	vld.idx.msk [tilespmem:v5+s6+$0x0], $0xffff;
	_ =	sdelay $0x4  }
0x27d: {  	[tilespmem:s13+$0x1E300] =	vst v5  }
0x27e: {  	[tilespmem:$0x1E2D0] =	vst v4  }
0x27f: {  	[tilespmem:$0x1E4D0] =	vst v2  }
0x280: {  	[tilespmem:$0x1E2E0] =	vst v4  }
0x281: {  	[tilespmem:$0x1E4E0] =	vst v2  }
0x282: {  	[tilespmem:$0x1E2F0] =	vst v4  }
.Ltmp32:
0x283: {  	[tilespmem:$0x1E4F0] =	vst v2;
	(pc) =	sbr.rel .LBB2_46-.Ltmp32, $4  }
0x284: {  	[spmem:s5] =	stream.indirect.scatter.add.f32 [tilespmem:s30], [sflag:$0x5], $0x1, s28, s26, $0xb8;
	[tilespmem:$0x1FD70] =	vst v63  }
0x285: {  	_ =	swait.ge [sflag:s29], $0x200  }
0x286: {  	[sflag:s29] =	ssyncset.done $0x0  }
0x287: {  	s15 =	simm.s32 $0x0;
	s13 =	simm.s32 $0xFFFFFFFF;
	[sflag:s29] =	ssyncadd.s32 $0xFFFFFE00  }
.LBB2_47:
0x288: {  	p0 =	slt.s32 s13, $0x0  }
0x289: {  	s12 =	ssub.s32 @!p0 s15, s13  }
0x28a: {  	s12 =	sadd.s32 @!p0 $0x1FF, s12  }
0x28b: {  	s14 =	sand.u32 @!p0 $0x1FF, s12  }
0x28c: {  	p1 =	slt.s32 @!p0 s12, $0x1;
	p2 =	sne.s32 @!p0 s14, $0x0  }
0x28d: {  	s14 =	sshra.s32 @!p0 s12, $0x1F;
	p1 =	por @!p0 !p1, !p2  }
0x28e: {  	s14 =	sshrl.u32 @!p0 s14, $0x17;
	p1 =	por @!p0 !p1, !p1  }
0x28f: {  	s12 =	sadd.s32 @!p0 s14, s12;
	s14 =	simm.s32 @!p0 $0x1;
	p1 =	por !p1, p0  }
0x290: {  	s12 =	sshra.s32 @!p0 s12, $0x9;
	s14 =	simm.s32 @p1 $0x0  }
0x291: {  	s12 =	ssub.s32 @!p0 s12, s14  }
0x292: {  	p1 =	slt.s32 @!p0 s12, $0x1  }
0x293: {  	p1 =	por p0, p1  }
.Ltmp33:
0x294: {  	_ = 	snop;
	(pc) =	sbr.rel @p1 .LBB2_53-.Ltmp33, $2  }
0x295: {  	_ =	sdelay $0x2  }
0x296: {  	s14 =	simm.s32 @!p0 $0x0  }
.LBB2_48:
0x297: {  	s15 =	sshll.u32 s14, $0x9  }
0x298: {  	s16 =	simm.s32 $0x0;
	s17 =	sadd.s32 s13, s15  }
0x299: {  	v6 =	vld [tilespmem:s16+$0x1DF00];
	v5 =	vmov s17;
	s17 =	simm.s32 $0x40  }
.LBB2_49:
0x29a: {  	_ =	sdelay $0x1  }
0x29b: {  	p0 =	sne.s32 s17, $0x7C0  }
.Ltmp34:
0x29c: {  	_ = 	snop;
	(pc) =	sbr.rel @p0 .LBB2_49-.Ltmp34, $4  }
0x29d: {  	v7 =	vadd.s32 v5, v6  }
0x29e: {  	vm2 =	vlt.s32 v7, $0x186FF  }
0x29f: {  	s18 =	sshra.s32 s17, $0x2;
	v7 =	vnsel vm2, $0x186FF, v7  }
0x2a0: {  	s17 =	sadd.s32 $0x40, s17;
	v6 =	vld [tilespmem:s18+$0x1DF00];
	[tilespmem:s16+$0x1E100] =	vst v7;
	s16 =	smov.u32 s18  }
0x2a1: {  	_ =	sdelay $0x3  }
0x2a2: {  	v5 =	vadd.s32 v5, v6  }
0x2a3: {  	s14 =	sadd.s32 $0x1, s14;
	vm2 =	vlt.s32 v5, $0x186FF  }
0x2a4: {  	p0 =	sne.s32 s14, s12;
	v5 =	vnsel vm2, $0x186FF, v5  }
.Ltmp35:
0x2a5: {  	s15 =	sadd.s32 $0x1A700, s15;
	[tilespmem:s16+$0x1E100] =	vst v5;
	(pc) =	sbr.rel @p0 .LBB2_48-.Ltmp35, $4  }
0x2a6: {  	[spmem:s5] =	stream.indirect.scatter.add.f32 [tilespmem:s15], [sflag:$0x5], $0x1, s28, s26, $0xb8;
	[tilespmem:$0x1FD70] =	vst v63  }
0x2a7: {  	_ =	swait.ge [sflag:s29], $0x200  }
0x2a8: {  	[sflag:s29] =	ssyncset.done $0x0  }
0x2a9: {  	[sflag:s29] =	ssyncadd.s32 $0xFFFFFE00  }
0x2aa: {  	s13 =	sshll.u32 s12, $0x5  }
0x2ab: {  	p0 =	sne.s32 s13, $0x1  }
.Ltmp36:
0x2ac: {  	_ = 	snop;
	(pc) =	sbr.rel @!p0 .LBB2_53-.Ltmp36, $3  }
0x2ad: {  	_ =	sdelay $0x1  }
0x2ae: {  	s12 =	simm.s32 $0x1A700  }
0x2af: {  	s13 =	sadd.s32 $0xFFFFFFFF, s13;
	[tilespmem:s12+$0x0] =	vst v2  }
.LBB2_52:
0x2b0: {  	p0 =	sne.s32 s13, $0x1  }
.Ltmp37:
0x2b1: {  	_ = 	snop;
	(pc) =	sbr.rel @p0 .LBB2_52-.Ltmp37, $3  }
0x2b2: {  	_ =	sdelay $0x1  }
0x2b3: {  	s13 =	sadd.s32 $0xFFFFFFFF, s13;
	s12 =	sadd.s32 $0x10, s12  }
0x2b4: {  	[tilespmem:s12+$0x0] =	vst v2  }
.Ltmp38:
0x2b5: {  	_ = 	snop;
	(pc) =	sbr.rel .LBB2_53-.Ltmp38, $1  }
0x2b6: {  	_ =	sdelay $0x3  }
.LBB2_54:
0x2b7: {  	_ =	sfence.sel $0x180000  }
0x2b8: {  	[bflag:$0x0] =	sbarrier.arrive $0xFFFF  }
0x2b9: {  	_ =	strace $0x90000047  }
0x2ba: {  	s0 =	stileid.u32;
	[bflag:$0x2] =	sbarrier.arrive $0xFFFF  }
0x2bb: {  	p0 =	sne.s32 s0, $0x0;
	s0 =	rddreg [dreg:$0x5]  }
0x2bc: {  	s0 =	sadd.s32 @!p0 $0x100000, s0  }
0x2bd: {  	[sflag:s0] =	ssyncadd.tile.s32 @!p0 $0x1;
	_ =	shalt  }
.Lfunc_end2:
_tile_overlayer_lowered:
.L_overlay_start_2:
0x2be: {  	(tag) =	ssettag $0x2  }
0x2bf: {  	s0 =	rddreg [dreg:$0x0];
	s2 =	stileid.u32  }
0x2c0: {  	s1 =	rddreg [dreg:$0x1];
	p0 =	sne.s32 s2, $0x0  }
0x2c1: {  	s3 =	rddreg [dreg:$0x2];
	[bflag:$0x3] =	sbarrier.arrive $0xFFFF;
	s2 =	simm.s32 @!p0 $0x1C05  }
0x2c2: {  	[timem:s3], [sflag:s2] =	dma.local @!p0 [hbm:s0], s1  }
0x2c3: {  	s0 =	simm.s32 @!p0 $0x5  }
0x2c4: {  	_ =	swait.ge @!p0 [sflag:s0], s1  }
0x2c5: {  	s1 =	ssub.s32 @!p0 $0x0, s1;
	[sflag:s0] =	ssyncset.done @!p0 $0x0  }
0x2c6: {  	[sflag:s0] =	ssyncadd.s32 @!p0 s1  }
0x2c7: {  	[bflag:$0x3] =	sbarrier.arrive $0xFFFF  }
0x2c8: {  	_ =	shalt  }

</sc_bundles>
